<compile_context>
chip_gen: v7x
topology: tpu7x:2x2x1
jax: 0.10.2.dev20260603
libtpu: 0.0.44.dev20260713+nightly
codegen_flags: <defaults>
</compile_context>

<pallas_src>
import jax
import jax.numpy as jnp
from jax import lax
from jax.experimental import pallas as pl
from jax.experimental.pallas import tpu as pltpu
from jax.experimental.pallas import tpu_sc as plsc

B, S, D, E, K = 4, 8192, 1024, 8, 2
T = B * S

NC, NS, L = 2, 16, 16
NW = NC * NS
TW = T // NW
BT = 2048
WPB = BT // TW




def _logits_body(x_ref, w_ref, out_ref):
    lg = lax.dot_general(
        w_ref[...], x_ref[...], (((1,), (1,)), ((), ())),
        preferred_element_type=jnp.float32,
    )
    out_ref[...] = jnp.stack([lg[:, i * TW:(i + 1) * TW] for i in range(WPB)])


def _logits_tc(x, gate_w):
    nb = T // BT
    return pl.pallas_call(
        _logits_body,
        grid=(nb,),
        in_specs=[
            pl.BlockSpec((BT, D), lambda i: (i, 0)),
            pl.BlockSpec((E, D), lambda i: (0, 0)),
        ],
        out_specs=pl.BlockSpec((WPB, E, TW), lambda i: (i, 0, 0)),
        out_shape=jax.ShapeDtypeStruct((NW, E, TW), jnp.float32),
        compiler_params=pltpu.CompilerParams(
            dimension_semantics=("arbitrary",),
        ),
    )(x, gate_w)




def _route_sc_body(lg_hbm, w_hbm, i_hbm, part_hbm,
                   lg_v, w_v, i_v, part_v, sem):
    wid = lax.axis_index("s") * NC + lax.axis_index("c")

    pltpu.async_copy(lg_hbm.at[wid], lg_v, sem).wait()

    zero_f = jnp.zeros((L,), jnp.float32)

    def step(j, acc):
        ls = [lg_v[e, pl.ds(j * L, L)] for e in range(E)]
        m = ls[0]
        for e in range(1, E):
            m = jnp.maximum(m, ls[e])
        exs = [jnp.exp(l - m) for l in ls]
        ssum = exs[0]
        for e in range(1, E):
            ssum = ssum + exs[e]
        ps = [ex / ssum for ex in exs]

        best_v = ps[0]
        best_i = jnp.zeros((L,), jnp.int32)
        for e in range(1, E):
            gt = ps[e] > best_v
            best_v = jnp.where(gt, ps[e], best_v)
            best_i = jnp.where(gt, e, best_i)
        sec_v = zero_f - 1.0
        sec_i = jnp.zeros((L,), jnp.int32)
        for e in range(E):
            gt = (ps[e] > sec_v) & (best_i != e)
            sec_v = jnp.where(gt, ps[e], sec_v)
            sec_i = jnp.where(gt, e, sec_i)

        den = best_v + sec_v
        w_v[0, pl.ds(j * L, L)] = best_v / den
        w_v[1, pl.ds(j * L, L)] = sec_v / den
        i_v[0, pl.ds(j * L, L)] = best_i
        i_v[1, pl.ds(j * L, L)] = sec_i

        new_acc = []
        for e in range(E):
            new_acc.append(acc[e] + ps[e])
        for e in range(E):
            hit = jnp.where(best_i == e, 1.0, 0.0) + jnp.where(sec_i == e, 1.0, 0.0)
            new_acc.append(acc[E + e] + hit)
        return tuple(new_acc)

    acc0 = tuple(zero_f for _ in range(2 * E))
    acc = lax.fori_loop(0, TW // L, step, acc0, unroll=2)

    for e in range(2 * E):
        part_v[e, :] = acc[e]

    pltpu.sync_copy(w_v, w_hbm.at[wid])
    pltpu.sync_copy(i_v, i_hbm.at[wid])
    pltpu.sync_copy(part_v, part_hbm.at[wid])


_route_sc = pl.kernel(
    _route_sc_body,
    out_type=[
        jax.ShapeDtypeStruct((NW, K, TW), jnp.float32),
        jax.ShapeDtypeStruct((NW, K, TW), jnp.int32),
        jax.ShapeDtypeStruct((NW, 2 * E, L), jnp.float32),
    ],
    mesh=plsc.VectorSubcoreMesh(core_axis_name="c", subcore_axis_name="s"),
    scratch_types=[
        pltpu.VMEM((E, TW), jnp.float32),
        pltpu.VMEM((K, TW), jnp.float32),
        pltpu.VMEM((K, TW), jnp.int32),
        pltpu.VMEM((2 * E, L), jnp.float32),
        pltpu.SemaphoreType.DMA,
    ],
)




@jax.jit
def _moe_router(x, gate_w):
    logits = _logits_tc(x, gate_w)
    w, i, part = _route_sc(logits)
    routing_weights = w.transpose(0, 2, 1).reshape(B, S, K, 1)
    selected_experts = i.transpose(0, 2, 1).reshape(B, S, K)
    tot = jnp.sum(part, axis=(0, 2)) / jnp.float32(T)
    aux = jnp.float32(E) * jnp.sum(tot[:E] * tot[E:])
    return routing_weights, selected_experts, aux


def kernel(hidden_states, gate_w):
    x = hidden_states.reshape(T, D)
    return _moe_router(x, gate_w)

# --- scband reference (transcript-rebuilt; emitter-appended) ---
"""Pipeline reference for scband-mo-erouter-89996744721046 (READ-ONLY COPY).

The authoritative reference and input builder live on the scoring server;
editing this copy changes nothing except your own understanding.
"""

import jax, jax.numpy as jnp
import numpy as np

B, S, D, E, K = 4, 8192, 1024, 8, 2


def setup_inputs(seed: int = 0) -> dict:
    key = jax.random.key(seed)
    k1, k2 = jax.random.split(key)
    hidden_states = jax.random.normal(k1, (B, S, D), dtype=jnp.float32)
    # nn.Linear(hidden_size, num_experts, bias=False) weight: [E, D]
    gate_w = jax.random.normal(k2, (E, D), dtype=jnp.float32) * 0.02
    return {"hidden_states": hidden_states, "gate_w": gate_w}


def reference(hidden_states, gate_w):
    # router logits: [B, S, E]
    router_logits = jnp.einsum('bsd,ed->bse', hidden_states, gate_w)
    # jitter_noise = 0.0 and training=False, so no noise branch
    router_probs = jax.nn.softmax(router_logits.astype(jnp.float32), axis=-1)
    routing_weights, selected_experts = jax.lax.top_k(router_probs, K)
    routing_weights = routing_weights.astype(hidden_states.dtype)
    # norm_topk_prob = True
    routing_weights = routing_weights / jnp.sum(routing_weights, axis=-1, keepdims=True)
    routing_weights = routing_weights[..., None]  # [B, S, K, 1]
    router_probs_flat = router_probs.reshape(-1, E)
    selected_flat = selected_experts.reshape(-1, K)
    expert_mask = jax.nn.one_hot(selected_flat, E, dtype=router_probs.dtype)  # [T, K, E]
    tokens_per_expert = expert_mask.sum(axis=1).mean(axis=0)  # [E]
    router_prob_per_expert = router_probs_flat.mean(axis=0)  # [E]
    aux_loss = E * jnp.sum(tokens_per_expert * router_prob_per_expert)
    return (routing_weights, selected_experts, aux_loss)

if __name__ == "__main__":
    import jax
    _d = setup_inputs()
    print(jax.jit(kernel)(*tuple(_d.values())))

</pallas_src>

<mosaic_0001>
#map = affine_map<(d0, d1) -> (0, 0, 0)>
module attributes {stable_mosaic.version = 14 : i64} {
  func.func @_route_sc_body(%arg0: i32, %arg1: i32, %arg2: memref<32x8x1024xf32, #tpu.memory_space<hbm>>, %arg3: memref<32x2x1024xf32, #tpu.memory_space<hbm>>, %arg4: memref<32x2x1024xi32, #tpu.memory_space<hbm>>, %arg5: memref<32x16x16xf32, #tpu.memory_space<hbm>>, %arg6: memref<8x1024xf32, #tpu.memory_space<vmem>>, %arg7: memref<2x1024xf32, #tpu.memory_space<vmem>>, %arg8: memref<2x1024xi32, #tpu.memory_space<vmem>>, %arg9: memref<16x16xf32, #tpu.memory_space<vmem>>, %arg10: memref<!tpu.dma_semaphore, #tpu.memory_space<semaphore_mem>>) attributes {dimension_semantics = [#tpu.dimension_semantics<core_parallel>, #tpu.dimension_semantics<subcore_parallel>], iteration_bounds = array<i64: 2, 16>, scalar_prefetch = 0 : i64, scratch_operands = 5 : i64, tpu.core_type = #tpu.core_type<sc_vector_subcore>, window_params = [{transform_indices = #map}, {transform_indices = #map}, {transform_indices = #map}, {transform_indices = #map}]} {
    %mul3A = arith.constant 2 : i32
    %mul3A_0 = arith.muli %arg1, %mul3A : i32
    %add3A = arith.addi %mul3A_0, %arg0 : i32
    %dma_start3A = arith.constant 0 : i32
    %dma_start3A_1 = arith.constant 0 : i32
    %dma_start3A_2 = tpu.memref_slice %arg2[%add3A, %dma_start3A, %dma_start3A_1] : memref<32x8x1024xf32, #tpu.memory_space<hbm>> -> memref<1x8x1024xf32, #tpu.memory_space<hbm>>
    %dma_start3A_3 = tpu.memref_squeeze %dma_start3A_2 : memref<1x8x1024xf32, #tpu.memory_space<hbm>> -> memref<8x1024xf32, #tpu.memory_space<hbm>>
    %dma_start3A_4 = arith.constant 0 : i32
    %dma_start3A_5 = arith.constant 0 : i32
    %dma_start3A_6 = tpu.memref_slice %arg2[%add3A, %dma_start3A_4, %dma_start3A_5] : memref<32x8x1024xf32, #tpu.memory_space<hbm>> -> memref<1x8x1024xf32, #tpu.memory_space<hbm>>
    %dma_start3A_7 = tpu.memref_squeeze %dma_start3A_6 : memref<1x8x1024xf32, #tpu.memory_space<hbm>> -> memref<8x1024xf32, #tpu.memory_space<hbm>>
    tpu.enqueue_dma source(%dma_start3A_7 : memref<8x1024xf32, #tpu.memory_space<hbm>>) target(%arg6 : memref<8x1024xf32, #tpu.memory_space<vmem>>) target_semaphore(%arg10 : memref<!tpu.dma_semaphore, #tpu.memory_space<semaphore_mem>>)
    %dma_wait3A = arith.constant 0 : i32
    %dma_wait3A_8 = arith.constant 0 : i32
    %dma_wait3A_9 = tpu.memref_slice %arg2[%add3A, %dma_wait3A, %dma_wait3A_8] : memref<32x8x1024xf32, #tpu.memory_space<hbm>> -> memref<1x8x1024xf32, #tpu.memory_space<hbm>>
    %dma_wait3A_10 = tpu.memref_squeeze %dma_wait3A_9 : memref<1x8x1024xf32, #tpu.memory_space<hbm>> -> memref<8x1024xf32, #tpu.memory_space<hbm>>
    %dma_wait3A_11 = arith.constant 0 : i32
    %dma_wait3A_12 = arith.constant 0 : i32
    %dma_wait3A_13 = tpu.memref_slice %arg2[%add3A, %dma_wait3A_11, %dma_wait3A_12] : memref<32x8x1024xf32, #tpu.memory_space<hbm>> -> memref<1x8x1024xf32, #tpu.memory_space<hbm>>
    %dma_wait3A_14 = tpu.memref_squeeze %dma_wait3A_13 : memref<1x8x1024xf32, #tpu.memory_space<hbm>> -> memref<8x1024xf32, #tpu.memory_space<hbm>>
    tpu.wait_dma2 semaphore(%arg10 : memref<!tpu.dma_semaphore, #tpu.memory_space<semaphore_mem>>) src(%dma_wait3A_14 : memref<8x1024xf32, #tpu.memory_space<hbm>>) dst(%arg6 : memref<8x1024xf32, #tpu.memory_space<vmem>>)
    %broadcast_in_dim3A = arith.constant 0.000000e+00 : f32
    %broadcast_in_dim3A_15 = vector.broadcast %broadcast_in_dim3A : f32 to vector<16xf32>
    %scan3A = arith.constant 0 : i32
    %scan3A_16 = arith.constant 64 : i32
    %scan3A_17 = arith.addi %scan3A, %scan3A_16 : i32
    %scan3A_18 = arith.constant 2 : i32
    %scan3A_19:16 = scf.for %scan3A_116 = %scan3A to %scan3A_17 step %scan3A_18 iter_args(%scan3A_117 = %broadcast_in_dim3A_15, %scan3A_118 = %broadcast_in_dim3A_15, %scan3A_119 = %broadcast_in_dim3A_15, %scan3A_120 = %broadcast_in_dim3A_15, %scan3A_121 = %broadcast_in_dim3A_15, %scan3A_122 = %broadcast_in_dim3A_15, %scan3A_123 = %broadcast_in_dim3A_15, %scan3A_124 = %broadcast_in_dim3A_15, %scan3A_125 = %broadcast_in_dim3A_15, %scan3A_126 = %broadcast_in_dim3A_15, %scan3A_127 = %broadcast_in_dim3A_15, %scan3A_128 = %broadcast_in_dim3A_15, %scan3A_129 = %broadcast_in_dim3A_15, %scan3A_130 = %broadcast_in_dim3A_15, %scan3A_131 = %broadcast_in_dim3A_15, %scan3A_132 = %broadcast_in_dim3A_15) -> (vector<16xf32>, vector<16xf32>, vector<16xf32>, vector<16xf32>, vector<16xf32>, vector<16xf32>, vector<16xf32>, vector<16xf32>, vector<16xf32>, vector<16xf32>, vector<16xf32>, vector<16xf32>, vector<16xf32>, vector<16xf32>, vector<16xf32>, vector<16xf32>)  : i32 {
      %mul3A_133 = arith.constant 16 : i32
      %mul3A_134 = arith.muli %scan3A_116, %mul3A_133 : i32
      %get3A = arith.constant 0 : i32
      %get3A_135 = arith.index_cast %get3A : i32 to index
      %get3A_136 = arith.index_cast %mul3A_134 : i32 to index
      %get3A_137 = tpu.vector_load %arg6[%get3A_135, %get3A_136] {strides = array<i32>} : memref<8x1024xf32, #tpu.memory_space<vmem>>, vector<1x16xf32>,
      %get3A_138 = vector.shape_cast %get3A_137 : vector<1x16xf32> to vector<16xf32>
      %mul3A_139 = arith.constant 16 : i32
      %mul3A_140 = arith.muli %scan3A_116, %mul3A_139 : i32
      %get3A_141 = arith.constant 1 : i32
      %get3A_142 = arith.index_cast %get3A_141 : i32 to index
      %get3A_143 = arith.index_cast %mul3A_140 : i32 to index
      %get3A_144 = tpu.vector_load %arg6[%get3A_142, %get3A_143] {strides = array<i32>} : memref<8x1024xf32, #tpu.memory_space<vmem>>, vector<1x16xf32>,
      %get3A_145 = vector.shape_cast %get3A_144 : vector<1x16xf32> to vector<16xf32>
      %mul3A_146 = arith.constant 16 : i32
      %mul3A_147 = arith.muli %scan3A_116, %mul3A_146 : i32
      %get3A_148 = arith.constant 2 : i32
      %get3A_149 = arith.index_cast %get3A_148 : i32 to index
      %get3A_150 = arith.index_cast %mul3A_147 : i32 to index
      %get3A_151 = tpu.vector_load %arg6[%get3A_149, %get3A_150] {strides = array<i32>} : memref<8x1024xf32, #tpu.memory_space<vmem>>, vector<1x16xf32>,
      %get3A_152 = vector.shape_cast %get3A_151 : vector<1x16xf32> to vector<16xf32>
      %mul3A_153 = arith.constant 16 : i32
      %mul3A_154 = arith.muli %scan3A_116, %mul3A_153 : i32
      %get3A_155 = arith.constant 3 : i32
      %get3A_156 = arith.index_cast %get3A_155 : i32 to index
      %get3A_157 = arith.index_cast %mul3A_154 : i32 to index
      %get3A_158 = tpu.vector_load %arg6[%get3A_156, %get3A_157] {strides = array<i32>} : memref<8x1024xf32, #tpu.memory_space<vmem>>, vector<1x16xf32>,
      %get3A_159 = vector.shape_cast %get3A_158 : vector<1x16xf32> to vector<16xf32>
      %mul3A_160 = arith.constant 16 : i32
      %mul3A_161 = arith.muli %scan3A_116, %mul3A_160 : i32
      %get3A_162 = arith.constant 4 : i32
      %get3A_163 = arith.index_cast %get3A_162 : i32 to index
      %get3A_164 = arith.index_cast %mul3A_161 : i32 to index
      %get3A_165 = tpu.vector_load %arg6[%get3A_163, %get3A_164] {strides = array<i32>} : memref<8x1024xf32, #tpu.memory_space<vmem>>, vector<1x16xf32>,
      %get3A_166 = vector.shape_cast %get3A_165 : vector<1x16xf32> to vector<16xf32>
      %mul3A_167 = arith.constant 16 : i32
      %mul3A_168 = arith.muli %scan3A_116, %mul3A_167 : i32
      %get3A_169 = arith.constant 5 : i32
      %get3A_170 = arith.index_cast %get3A_169 : i32 to index
      %get3A_171 = arith.index_cast %mul3A_168 : i32 to index
      %get3A_172 = tpu.vector_load %arg6[%get3A_170, %get3A_171] {strides = array<i32>} : memref<8x1024xf32, #tpu.memory_space<vmem>>, vector<1x16xf32>,
      %get3A_173 = vector.shape_cast %get3A_172 : vector<1x16xf32> to vector<16xf32>
      %mul3A_174 = arith.constant 16 : i32
      %mul3A_175 = arith.muli %scan3A_116, %mul3A_174 : i32
      %get3A_176 = arith.constant 6 : i32
      %get3A_177 = arith.index_cast %get3A_176 : i32 to index
      %get3A_178 = arith.index_cast %mul3A_175 : i32 to index
      %get3A_179 = tpu.vector_load %arg6[%get3A_177, %get3A_178] {strides = array<i32>} : memref<8x1024xf32, #tpu.memory_space<vmem>>, vector<1x16xf32>,
      %get3A_180 = vector.shape_cast %get3A_179 : vector<1x16xf32> to vector<16xf32>
      %mul3A_181 = arith.constant 16 : i32
      %mul3A_182 = arith.muli %scan3A_116, %mul3A_181 : i32
      %get3A_183 = arith.constant 7 : i32
      %get3A_184 = arith.index_cast %get3A_183 : i32 to index
      %get3A_185 = arith.index_cast %mul3A_182 : i32 to index
      %get3A_186 = tpu.vector_load %arg6[%get3A_184, %get3A_185] {strides = array<i32>} : memref<8x1024xf32, #tpu.memory_space<vmem>>, vector<1x16xf32>,
      %get3A_187 = vector.shape_cast %get3A_186 : vector<1x16xf32> to vector<16xf32>
      %max3A = arith.maximumf %get3A_138, %get3A_145 : vector<16xf32>
      %max3A_188 = arith.maximumf %max3A, %get3A_152 : vector<16xf32>
      %max3A_189 = arith.maximumf %max3A_188, %get3A_159 : vector<16xf32>
      %max3A_190 = arith.maximumf %max3A_189, %get3A_166 : vector<16xf32>
      %max3A_191 = arith.maximumf %max3A_190, %get3A_173 : vector<16xf32>
      %max3A_192 = arith.maximumf %max3A_191, %get3A_180 : vector<16xf32>
      %max3A_193 = arith.maximumf %max3A_192, %get3A_187 : vector<16xf32>
      %sub3A = arith.subf %get3A_138, %max3A_193 : vector<16xf32>
      %exp3A = math.exp %sub3A : vector<16xf32>
      %sub3A_194 = arith.subf %get3A_145, %max3A_193 : vector<16xf32>
      %exp3A_195 = math.exp %sub3A_194 : vector<16xf32>
      %sub3A_196 = arith.subf %get3A_152, %max3A_193 : vector<16xf32>
      %exp3A_197 = math.exp %sub3A_196 : vector<16xf32>
      %sub3A_198 = arith.subf %get3A_159, %max3A_193 : vector<16xf32>
      %exp3A_199 = math.exp %sub3A_198 : vector<16xf32>
      %sub3A_200 = arith.subf %get3A_166, %max3A_193 : vector<16xf32>
      %exp3A_201 = math.exp %sub3A_200 : vector<16xf32>
      %sub3A_202 = arith.subf %get3A_173, %max3A_193 : vector<16xf32>
      %exp3A_203 = math.exp %sub3A_202 : vector<16xf32>
      %sub3A_204 = arith.subf %get3A_180, %max3A_193 : vector<16xf32>
      %exp3A_205 = math.exp %sub3A_204 : vector<16xf32>
      %sub3A_206 = arith.subf %get3A_187, %max3A_193 : vector<16xf32>
      %exp3A_207 = math.exp %sub3A_206 : vector<16xf32>
      %add3A_208 = arith.addf %exp3A, %exp3A_195 : vector<16xf32>
      %add3A_209 = arith.addf %add3A_208, %exp3A_197 : vector<16xf32>
      %add3A_210 = arith.addf %add3A_209, %exp3A_199 : vector<16xf32>
      %add3A_211 = arith.addf %add3A_210, %exp3A_201 : vector<16xf32>
      %add3A_212 = arith.addf %add3A_211, %exp3A_203 : vector<16xf32>
      %add3A_213 = arith.addf %add3A_212, %exp3A_205 : vector<16xf32>
      %add3A_214 = arith.addf %add3A_213, %exp3A_207 : vector<16xf32>
      %div3A = arith.divf %exp3A, %add3A_214 : vector<16xf32>
      %div3A_215 = arith.divf %exp3A_195, %add3A_214 : vector<16xf32>
      %div3A_216 = arith.divf %exp3A_197, %add3A_214 : vector<16xf32>
      %div3A_217 = arith.divf %exp3A_199, %add3A_214 : vector<16xf32>
      %div3A_218 = arith.divf %exp3A_201, %add3A_214 : vector<16xf32>
      %div3A_219 = arith.divf %exp3A_203, %add3A_214 : vector<16xf32>
      %div3A_220 = arith.divf %exp3A_205, %add3A_214 : vector<16xf32>
      %div3A_221 = arith.divf %exp3A_207, %add3A_214 : vector<16xf32>
      %broadcast_in_dim3A_222 = arith.constant 0 : i32
      %broadcast_in_dim3A_223 = vector.broadcast %broadcast_in_dim3A_222 : i32 to vector<16xi32>
      %gt3A = arith.cmpf ogt, %div3A_215, %div3A : vector<16xf32>
      %select_n3A = arith.select %gt3A, %div3A_215, %div3A : vector<16xi1>, vector<16xf32>
      %jit3A = arith.constant 1 : i32
      %broadcast_in_dim3A_224 = vector.broadcast %jit3A : i32 to vector<16xi32>
      %select_n3A_225 = arith.select %gt3A, %broadcast_in_dim3A_224, %broadcast_in_dim3A_223 : vector<16xi1>, vector<16xi32>
      %gt3A_226 = arith.cmpf ogt, %div3A_216, %select_n3A : vector<16xf32>
      %select_n3A_227 = arith.select %gt3A_226, %div3A_216, %select_n3A : vector<16xi1>, vector<16xf32>
      %jit3A_228 = arith.constant 2 : i32
      %broadcast_in_dim3A_229 = vector.broadcast %jit3A_228 : i32 to vector<16xi32>
      %select_n3A_230 = arith.select %gt3A_226, %broadcast_in_dim3A_229, %select_n3A_225 : vector<16xi1>, vector<16xi32>
      %gt3A_231 = arith.cmpf ogt, %div3A_217, %select_n3A_227 : vector<16xf32>
      %select_n3A_232 = arith.select %gt3A_231, %div3A_217, %select_n3A_227 : vector<16xi1>, vector<16xf32>
      %jit3A_233 = arith.constant 3 : i32
      %broadcast_in_dim3A_234 = vector.broadcast %jit3A_233 : i32 to vector<16xi32>
      %select_n3A_235 = arith.select %gt3A_231, %broadcast_in_dim3A_234, %select_n3A_230 : vector<16xi1>, vector<16xi32>
      %gt3A_236 = arith.cmpf ogt, %div3A_218, %select_n3A_232 : vector<16xf32>
      %select_n3A_237 = arith.select %gt3A_236, %div3A_218, %select_n3A_232 : vector<16xi1>, vector<16xf32>
      %jit3A_238 = arith.constant 4 : i32
      %broadcast_in_dim3A_239 = vector.broadcast %jit3A_238 : i32 to vector<16xi32>
      %select_n3A_240 = arith.select %gt3A_236, %broadcast_in_dim3A_239, %select_n3A_235 : vector<16xi1>, vector<16xi32>
      %gt3A_241 = arith.cmpf ogt, %div3A_219, %select_n3A_237 : vector<16xf32>
      %select_n3A_242 = arith.select %gt3A_241, %div3A_219, %select_n3A_237 : vector<16xi1>, vector<16xf32>
      %jit3A_243 = arith.constant 5 : i32
      %broadcast_in_dim3A_244 = vector.broadcast %jit3A_243 : i32 to vector<16xi32>
      %select_n3A_245 = arith.select %gt3A_241, %broadcast_in_dim3A_244, %select_n3A_240 : vector<16xi1>, vector<16xi32>
      %gt3A_246 = arith.cmpf ogt, %div3A_220, %select_n3A_242 : vector<16xf32>
      %select_n3A_247 = arith.select %gt3A_246, %div3A_220, %select_n3A_242 : vector<16xi1>, vector<16xf32>
      %jit3A_248 = arith.constant 6 : i32
      %broadcast_in_dim3A_249 = vector.broadcast %jit3A_248 : i32 to vector<16xi32>
      %select_n3A_250 = arith.select %gt3A_246, %broadcast_in_dim3A_249, %select_n3A_245 : vector<16xi1>, vector<16xi32>
      %gt3A_251 = arith.cmpf ogt, %div3A_221, %select_n3A_247 : vector<16xf32>
      %select_n3A_252 = arith.select %gt3A_251, %div3A_221, %select_n3A_247 : vector<16xi1>, vector<16xf32>
      %jit3A_253 = arith.constant 7 : i32
      %broadcast_in_dim3A_254 = vector.broadcast %jit3A_253 : i32 to vector<16xi32>
      %select_n3A_255 = arith.select %gt3A_251, %broadcast_in_dim3A_254, %select_n3A_250 : vector<16xi1>, vector<16xi32>
      %sub3A_256 = arith.constant 1.000000e+00 : f32
      %sub3A_257 = vector.broadcast %sub3A_256 : f32 to vector<16xf32>
      %sub3A_258 = arith.subf %broadcast_in_dim3A_15, %sub3A_257 : vector<16xf32>
      %broadcast_in_dim3A_259 = arith.constant 0 : i32
      %broadcast_in_dim3A_260 = vector.broadcast %broadcast_in_dim3A_259 : i32 to vector<16xi32>
      %gt3A_261 = arith.cmpf ogt, %div3A, %sub3A_258 : vector<16xf32>
      %ne3A = arith.constant 0 : i32
      %ne3A_262 = vector.broadcast %ne3A : i32 to vector<16xi32>
      %ne3A_263 = arith.cmpi ne, %select_n3A_255, %ne3A_262 : vector<16xi32>
      %and3A = arith.andi %gt3A_261, %ne3A_263 : vector<16xi1>
      %select_n3A_264 = arith.select %and3A, %div3A, %sub3A_258 : vector<16xi1>, vector<16xf32>
      %jit3A_265 = arith.constant 0 : i32
      %broadcast_in_dim3A_266 = vector.broadcast %jit3A_265 : i32 to vector<16xi32>
      %select_n3A_267 = arith.select %and3A, %broadcast_in_dim3A_266, %broadcast_in_dim3A_260 : vector<16xi1>, vector<16xi32>
      %gt3A_268 = arith.cmpf ogt, %div3A_215, %select_n3A_264 : vector<16xf32>
      %ne3A_269 = arith.constant 1 : i32
      %ne3A_270 = vector.broadcast %ne3A_269 : i32 to vector<16xi32>
      %ne3A_271 = arith.cmpi ne, %select_n3A_255, %ne3A_270 : vector<16xi32>
      %and3A_272 = arith.andi %gt3A_268, %ne3A_271 : vector<16xi1>
      %select_n3A_273 = arith.select %and3A_272, %div3A_215, %select_n3A_264 : vector<16xi1>, vector<16xf32>
      %jit3A_274 = arith.constant 1 : i32
      %broadcast_in_dim3A_275 = vector.broadcast %jit3A_274 : i32 to vector<16xi32>
      %select_n3A_276 = arith.select %and3A_272, %broadcast_in_dim3A_275, %select_n3A_267 : vector<16xi1>, vector<16xi32>
      %gt3A_277 = arith.cmpf ogt, %div3A_216, %select_n3A_273 : vector<16xf32>
      %ne3A_278 = arith.constant 2 : i32
      %ne3A_279 = vector.broadcast %ne3A_278 : i32 to vector<16xi32>
      %ne3A_280 = arith.cmpi ne, %select_n3A_255, %ne3A_279 : vector<16xi32>
      %and3A_281 = arith.andi %gt3A_277, %ne3A_280 : vector<16xi1>
      %select_n3A_282 = arith.select %and3A_281, %div3A_216, %select_n3A_273 : vector<16xi1>, vector<16xf32>
      %jit3A_283 = arith.constant 2 : i32
      %broadcast_in_dim3A_284 = vector.broadcast %jit3A_283 : i32 to vector<16xi32>
      %select_n3A_285 = arith.select %and3A_281, %broadcast_in_dim3A_284, %select_n3A_276 : vector<16xi1>, vector<16xi32>
      %gt3A_286 = arith.cmpf ogt, %div3A_217, %select_n3A_282 : vector<16xf32>
      %ne3A_287 = arith.constant 3 : i32
      %ne3A_288 = vector.broadcast %ne3A_287 : i32 to vector<16xi32>
      %ne3A_289 = arith.cmpi ne, %select_n3A_255, %ne3A_288 : vector<16xi32>
      %and3A_290 = arith.andi %gt3A_286, %ne3A_289 : vector<16xi1>
      %select_n3A_291 = arith.select %and3A_290, %div3A_217, %select_n3A_282 : vector<16xi1>, vector<16xf32>
      %jit3A_292 = arith.constant 3 : i32
      %broadcast_in_dim3A_293 = vector.broadcast %jit3A_292 : i32 to vector<16xi32>
      %select_n3A_294 = arith.select %and3A_290, %broadcast_in_dim3A_293, %select_n3A_285 : vector<16xi1>, vector<16xi32>
      %gt3A_295 = arith.cmpf ogt, %div3A_218, %select_n3A_291 : vector<16xf32>
      %ne3A_296 = arith.constant 4 : i32
      %ne3A_297 = vector.broadcast %ne3A_296 : i32 to vector<16xi32>
      %ne3A_298 = arith.cmpi ne, %select_n3A_255, %ne3A_297 : vector<16xi32>
      %and3A_299 = arith.andi %gt3A_295, %ne3A_298 : vector<16xi1>
      %select_n3A_300 = arith.select %and3A_299, %div3A_218, %select_n3A_291 : vector<16xi1>, vector<16xf32>
      %jit3A_301 = arith.constant 4 : i32
      %broadcast_in_dim3A_302 = vector.broadcast %jit3A_301 : i32 to vector<16xi32>
      %select_n3A_303 = arith.select %and3A_299, %broadcast_in_dim3A_302, %select_n3A_294 : vector<16xi1>, vector<16xi32>
      %gt3A_304 = arith.cmpf ogt, %div3A_219, %select_n3A_300 : vector<16xf32>
      %ne3A_305 = arith.constant 5 : i32
      %ne3A_306 = vector.broadcast %ne3A_305 : i32 to vector<16xi32>
      %ne3A_307 = arith.cmpi ne, %select_n3A_255, %ne3A_306 : vector<16xi32>
      %and3A_308 = arith.andi %gt3A_304, %ne3A_307 : vector<16xi1>
      %select_n3A_309 = arith.select %and3A_308, %div3A_219, %select_n3A_300 : vector<16xi1>, vector<16xf32>
      %jit3A_310 = arith.constant 5 : i32
      %broadcast_in_dim3A_311 = vector.broadcast %jit3A_310 : i32 to vector<16xi32>
      %select_n3A_312 = arith.select %and3A_308, %broadcast_in_dim3A_311, %select_n3A_303 : vector<16xi1>, vector<16xi32>
      %gt3A_313 = arith.cmpf ogt, %div3A_220, %select_n3A_309 : vector<16xf32>
      %ne3A_314 = arith.constant 6 : i32
      %ne3A_315 = vector.broadcast %ne3A_314 : i32 to vector<16xi32>
      %ne3A_316 = arith.cmpi ne, %select_n3A_255, %ne3A_315 : vector<16xi32>
      %and3A_317 = arith.andi %gt3A_313, %ne3A_316 : vector<16xi1>
      %select_n3A_318 = arith.select %and3A_317, %div3A_220, %select_n3A_309 : vector<16xi1>, vector<16xf32>
      %jit3A_319 = arith.constant 6 : i32
      %broadcast_in_dim3A_320 = vector.broadcast %jit3A_319 : i32 to vector<16xi32>
      %select_n3A_321 = arith.select %and3A_317, %broadcast_in_dim3A_320, %select_n3A_312 : vector<16xi1>, vector<16xi32>
      %gt3A_322 = arith.cmpf ogt, %div3A_221, %select_n3A_318 : vector<16xf32>
      %ne3A_323 = arith.constant 7 : i32
      %ne3A_324 = vector.broadcast %ne3A_323 : i32 to vector<16xi32>
      %ne3A_325 = arith.cmpi ne, %select_n3A_255, %ne3A_324 : vector<16xi32>
      %and3A_326 = arith.andi %gt3A_322, %ne3A_325 : vector<16xi1>
      %select_n3A_327 = arith.select %and3A_326, %div3A_221, %select_n3A_318 : vector<16xi1>, vector<16xf32>
      %jit3A_328 = arith.constant 7 : i32
      %broadcast_in_dim3A_329 = vector.broadcast %jit3A_328 : i32 to vector<16xi32>
      %select_n3A_330 = arith.select %and3A_326, %broadcast_in_dim3A_329, %select_n3A_321 : vector<16xi1>, vector<16xi32>
      %add3A_331 = arith.addf %select_n3A_252, %select_n3A_327 : vector<16xf32>
      %div3A_332 = arith.divf %select_n3A_252, %add3A_331 : vector<16xf32>
      %mul3A_333 = arith.constant 16 : i32
      %mul3A_334 = arith.muli %scan3A_116, %mul3A_333 : i32
      %swap3A_335 = arith.constant 0 : i32
      %swap3A_336 = arith.index_cast %swap3A_335 : i32 to index
      %swap3A_337 = arith.index_cast %mul3A_334 : i32 to index
      %swap3A_338 = tpu.vector_load %arg7[%swap3A_336, %swap3A_337] {strides = array<i32>} : memref<2x1024xf32, #tpu.memory_space<vmem>>, vector<1x16xf32>,
      %swap3A_339 = vector.shape_cast %swap3A_338 : vector<1x16xf32> to vector<16xf32>
      %swap3A_340 = vector.shape_cast %div3A_332 : vector<16xf32> to vector<1x16xf32>
      tpu.vector_store %arg7[%swap3A_336, %swap3A_337], %swap3A_340 {strides = array<i32>} : memref<2x1024xf32, #tpu.memory_space<vmem>>, vector<1x16xf32>,
      %div3A_341 = arith.divf %select_n3A_327, %add3A_331 : vector<16xf32>
      %mul3A_342 = arith.constant 16 : i32
      %mul3A_343 = arith.muli %scan3A_116, %mul3A_342 : i32
      %swap3A_344 = arith.constant 1 : i32
      %swap3A_345 = arith.index_cast %swap3A_344 : i32 to index
      %swap3A_346 = arith.index_cast %mul3A_343 : i32 to index
      %swap3A_347 = tpu.vector_load %arg7[%swap3A_345, %swap3A_346] {strides = array<i32>} : memref<2x1024xf32, #tpu.memory_space<vmem>>, vector<1x16xf32>,
      %swap3A_348 = vector.shape_cast %swap3A_347 : vector<1x16xf32> to vector<16xf32>
      %swap3A_349 = vector.shape_cast %div3A_341 : vector<16xf32> to vector<1x16xf32>
      tpu.vector_store %arg7[%swap3A_345, %swap3A_346], %swap3A_349 {strides = array<i32>} : memref<2x1024xf32, #tpu.memory_space<vmem>>, vector<1x16xf32>,
      %mul3A_350 = arith.constant 16 : i32
      %mul3A_351 = arith.muli %scan3A_116, %mul3A_350 : i32
      %swap3A_352 = arith.constant 0 : i32
      %swap3A_353 = arith.index_cast %swap3A_352 : i32 to index
      %swap3A_354 = arith.index_cast %mul3A_351 : i32 to index
      %swap3A_355 = tpu.vector_load %arg8[%swap3A_353, %swap3A_354] {strides = array<i32>} : memref<2x1024xi32, #tpu.memory_space<vmem>>, vector<1x16xi32>,
      %swap3A_356 = vector.shape_cast %swap3A_355 : vector<1x16xi32> to vector<16xi32>
      %swap3A_357 = vector.shape_cast %select_n3A_255 : vector<16xi32> to vector<1x16xi32>
      tpu.vector_store %arg8[%swap3A_353, %swap3A_354], %swap3A_357 {strides = array<i32>} : memref<2x1024xi32, #tpu.memory_space<vmem>>, vector<1x16xi32>,
      %mul3A_358 = arith.constant 16 : i32
      %mul3A_359 = arith.muli %scan3A_116, %mul3A_358 : i32
      %swap3A_360 = arith.constant 1 : i32
      %swap3A_361 = arith.index_cast %swap3A_360 : i32 to index
      %swap3A_362 = arith.index_cast %mul3A_359 : i32 to index
      %swap3A_363 = tpu.vector_load %arg8[%swap3A_361, %swap3A_362] {strides = array<i32>} : memref<2x1024xi32, #tpu.memory_space<vmem>>, vector<1x16xi32>,
      %swap3A_364 = vector.shape_cast %swap3A_363 : vector<1x16xi32> to vector<16xi32>
      %swap3A_365 = vector.shape_cast %select_n3A_330 : vector<16xi32> to vector<1x16xi32>
      tpu.vector_store %arg8[%swap3A_361, %swap3A_362], %swap3A_365 {strides = array<i32>} : memref<2x1024xi32, #tpu.memory_space<vmem>>, vector<1x16xi32>,
      %add3A_366 = arith.addf %scan3A_117, %div3A : vector<16xf32>
      %add3A_367 = arith.addf %scan3A_118, %div3A_215 : vector<16xf32>
      %add3A_368 = arith.addf %scan3A_119, %div3A_216 : vector<16xf32>
      %add3A_369 = arith.addf %scan3A_120, %div3A_217 : vector<16xf32>
      %add3A_370 = arith.addf %scan3A_121, %div3A_218 : vector<16xf32>
      %add3A_371 = arith.addf %scan3A_122, %div3A_219 : vector<16xf32>
      %add3A_372 = arith.addf %scan3A_123, %div3A_220 : vector<16xf32>
      %add3A_373 = arith.addf %scan3A_124, %div3A_221 : vector<16xf32>
      %eq3A = arith.constant 0 : i32
      %eq3A_374 = vector.broadcast %eq3A : i32 to vector<16xi32>
      %eq3A_375 = arith.cmpi eq, %select_n3A_255, %eq3A_374 : vector<16xi32>
      %jit3A_376 = arith.constant 1.000000e+00 : f32
      %jit3A_377 = arith.constant 0.000000e+00 : f32
      %broadcast_in_dim3A_378 = vector.broadcast %jit3A_376 : f32 to vector<16xf32>
      %broadcast_in_dim3A_379 = vector.broadcast %jit3A_377 : f32 to vector<16xf32>
      %select_n3A_380 = arith.select %eq3A_375, %broadcast_in_dim3A_378, %broadcast_in_dim3A_379 : vector<16xi1>, vector<16xf32>
      %eq3A_381 = arith.constant 0 : i32
      %eq3A_382 = vector.broadcast %eq3A_381 : i32 to vector<16xi32>
      %eq3A_383 = arith.cmpi eq, %select_n3A_330, %eq3A_382 : vector<16xi32>
      %jit3A_384 = arith.constant 1.000000e+00 : f32
      %jit3A_385 = arith.constant 0.000000e+00 : f32
      %broadcast_in_dim3A_386 = vector.broadcast %jit3A_384 : f32 to vector<16xf32>
      %broadcast_in_dim3A_387 = vector.broadcast %jit3A_385 : f32 to vector<16xf32>
      %select_n3A_388 = arith.select %eq3A_383, %broadcast_in_dim3A_386, %broadcast_in_dim3A_387 : vector<16xi1>, vector<16xf32>
      %add3A_389 = arith.addf %select_n3A_380, %select_n3A_388 : vector<16xf32>
      %add3A_390 = arith.addf %scan3A_125, %add3A_389 : vector<16xf32>
      %eq3A_391 = arith.constant 1 : i32
      %eq3A_392 = vector.broadcast %eq3A_391 : i32 to vector<16xi32>
      %eq3A_393 = arith.cmpi eq, %select_n3A_255, %eq3A_392 : vector<16xi32>
      %jit3A_394 = arith.constant 1.000000e+00 : f32
      %jit3A_395 = arith.constant 0.000000e+00 : f32
      %broadcast_in_dim3A_396 = vector.broadcast %jit3A_394 : f32 to vector<16xf32>
      %broadcast_in_dim3A_397 = vector.broadcast %jit3A_395 : f32 to vector<16xf32>
      %select_n3A_398 = arith.select %eq3A_393, %broadcast_in_dim3A_396, %broadcast_in_dim3A_397 : vector<16xi1>, vector<16xf32>
      %eq3A_399 = arith.constant 1 : i32
      %eq3A_400 = vector.broadcast %eq3A_399 : i32 to vector<16xi32>
      %eq3A_401 = arith.cmpi eq, %select_n3A_330, %eq3A_400 : vector<16xi32>
      %jit3A_402 = arith.constant 1.000000e+00 : f32
      %jit3A_403 = arith.constant 0.000000e+00 : f32
      %broadcast_in_dim3A_404 = vector.broadcast %jit3A_402 : f32 to vector<16xf32>
      %broadcast_in_dim3A_405 = vector.broadcast %jit3A_403 : f32 to vector<16xf32>
      %select_n3A_406 = arith.select %eq3A_401, %broadcast_in_dim3A_404, %broadcast_in_dim3A_405 : vector<16xi1>, vector<16xf32>
      %add3A_407 = arith.addf %select_n3A_398, %select_n3A_406 : vector<16xf32>
      %add3A_408 = arith.addf %scan3A_126, %add3A_407 : vector<16xf32>
      %eq3A_409 = arith.constant 2 : i32
      %eq3A_410 = vector.broadcast %eq3A_409 : i32 to vector<16xi32>
      %eq3A_411 = arith.cmpi eq, %select_n3A_255, %eq3A_410 : vector<16xi32>
      %jit3A_412 = arith.constant 1.000000e+00 : f32
      %jit3A_413 = arith.constant 0.000000e+00 : f32
      %broadcast_in_dim3A_414 = vector.broadcast %jit3A_412 : f32 to vector<16xf32>
      %broadcast_in_dim3A_415 = vector.broadcast %jit3A_413 : f32 to vector<16xf32>
      %select_n3A_416 = arith.select %eq3A_411, %broadcast_in_dim3A_414, %broadcast_in_dim3A_415 : vector<16xi1>, vector<16xf32>
      %eq3A_417 = arith.constant 2 : i32
      %eq3A_418 = vector.broadcast %eq3A_417 : i32 to vector<16xi32>
      %eq3A_419 = arith.cmpi eq, %select_n3A_330, %eq3A_418 : vector<16xi32>
      %jit3A_420 = arith.constant 1.000000e+00 : f32
      %jit3A_421 = arith.constant 0.000000e+00 : f32
      %broadcast_in_dim3A_422 = vector.broadcast %jit3A_420 : f32 to vector<16xf32>
      %broadcast_in_dim3A_423 = vector.broadcast %jit3A_421 : f32 to vector<16xf32>
      %select_n3A_424 = arith.select %eq3A_419, %broadcast_in_dim3A_422, %broadcast_in_dim3A_423 : vector<16xi1>, vector<16xf32>
      %add3A_425 = arith.addf %select_n3A_416, %select_n3A_424 : vector<16xf32>
      %add3A_426 = arith.addf %scan3A_127, %add3A_425 : vector<16xf32>
      %eq3A_427 = arith.constant 3 : i32
      %eq3A_428 = vector.broadcast %eq3A_427 : i32 to vector<16xi32>
      %eq3A_429 = arith.cmpi eq, %select_n3A_255, %eq3A_428 : vector<16xi32>
      %jit3A_430 = arith.constant 1.000000e+00 : f32
      %jit3A_431 = arith.constant 0.000000e+00 : f32
      %broadcast_in_dim3A_432 = vector.broadcast %jit3A_430 : f32 to vector<16xf32>
      %broadcast_in_dim3A_433 = vector.broadcast %jit3A_431 : f32 to vector<16xf32>
      %select_n3A_434 = arith.select %eq3A_429, %broadcast_in_dim3A_432, %broadcast_in_dim3A_433 : vector<16xi1>, vector<16xf32>
      %eq3A_435 = arith.constant 3 : i32
      %eq3A_436 = vector.broadcast %eq3A_435 : i32 to vector<16xi32>
      %eq3A_437 = arith.cmpi eq, %select_n3A_330, %eq3A_436 : vector<16xi32>
      %jit3A_438 = arith.constant 1.000000e+00 : f32
      %jit3A_439 = arith.constant 0.000000e+00 : f32
      %broadcast_in_dim3A_440 = vector.broadcast %jit3A_438 : f32 to vector<16xf32>
      %broadcast_in_dim3A_441 = vector.broadcast %jit3A_439 : f32 to vector<16xf32>
      %select_n3A_442 = arith.select %eq3A_437, %broadcast_in_dim3A_440, %broadcast_in_dim3A_441 : vector<16xi1>, vector<16xf32>
      %add3A_443 = arith.addf %select_n3A_434, %select_n3A_442 : vector<16xf32>
      %add3A_444 = arith.addf %scan3A_128, %add3A_443 : vector<16xf32>
      %eq3A_445 = arith.constant 4 : i32
      %eq3A_446 = vector.broadcast %eq3A_445 : i32 to vector<16xi32>
      %eq3A_447 = arith.cmpi eq, %select_n3A_255, %eq3A_446 : vector<16xi32>
      %jit3A_448 = arith.constant 1.000000e+00 : f32
      %jit3A_449 = arith.constant 0.000000e+00 : f32
      %broadcast_in_dim3A_450 = vector.broadcast %jit3A_448 : f32 to vector<16xf32>
      %broadcast_in_dim3A_451 = vector.broadcast %jit3A_449 : f32 to vector<16xf32>
      %select_n3A_452 = arith.select %eq3A_447, %broadcast_in_dim3A_450, %broadcast_in_dim3A_451 : vector<16xi1>, vector<16xf32>
      %eq3A_453 = arith.constant 4 : i32
      %eq3A_454 = vector.broadcast %eq3A_453 : i32 to vector<16xi32>
      %eq3A_455 = arith.cmpi eq, %select_n3A_330, %eq3A_454 : vector<16xi32>
      %jit3A_456 = arith.constant 1.000000e+00 : f32
      %jit3A_457 = arith.constant 0.000000e+00 : f32
      %broadcast_in_dim3A_458 = vector.broadcast %jit3A_456 : f32 to vector<16xf32>
      %broadcast_in_dim3A_459 = vector.broadcast %jit3A_457 : f32 to vector<16xf32>
      %select_n3A_460 = arith.select %eq3A_455, %broadcast_in_dim3A_458, %broadcast_in_dim3A_459 : vector<16xi1>, vector<16xf32>
      %add3A_461 = arith.addf %select_n3A_452, %select_n3A_460 : vector<16xf32>
      %add3A_462 = arith.addf %scan3A_129, %add3A_461 : vector<16xf32>
      %eq3A_463 = arith.constant 5 : i32
      %eq3A_464 = vector.broadcast %eq3A_463 : i32 to vector<16xi32>
      %eq3A_465 = arith.cmpi eq, %select_n3A_255, %eq3A_464 : vector<16xi32>
      %jit3A_466 = arith.constant 1.000000e+00 : f32
      %jit3A_467 = arith.constant 0.000000e+00 : f32
      %broadcast_in_dim3A_468 = vector.broadcast %jit3A_466 : f32 to vector<16xf32>
      %broadcast_in_dim3A_469 = vector.broadcast %jit3A_467 : f32 to vector<16xf32>
      %select_n3A_470 = arith.select %eq3A_465, %broadcast_in_dim3A_468, %broadcast_in_dim3A_469 : vector<16xi1>, vector<16xf32>
      %eq3A_471 = arith.constant 5 : i32
      %eq3A_472 = vector.broadcast %eq3A_471 : i32 to vector<16xi32>
      %eq3A_473 = arith.cmpi eq, %select_n3A_330, %eq3A_472 : vector<16xi32>
      %jit3A_474 = arith.constant 1.000000e+00 : f32
      %jit3A_475 = arith.constant 0.000000e+00 : f32
      %broadcast_in_dim3A_476 = vector.broadcast %jit3A_474 : f32 to vector<16xf32>
      %broadcast_in_dim3A_477 = vector.broadcast %jit3A_475 : f32 to vector<16xf32>
      %select_n3A_478 = arith.select %eq3A_473, %broadcast_in_dim3A_476, %broadcast_in_dim3A_477 : vector<16xi1>, vector<16xf32>
      %add3A_479 = arith.addf %select_n3A_470, %select_n3A_478 : vector<16xf32>
      %add3A_480 = arith.addf %scan3A_130, %add3A_479 : vector<16xf32>
      %eq3A_481 = arith.constant 6 : i32
      %eq3A_482 = vector.broadcast %eq3A_481 : i32 to vector<16xi32>
      %eq3A_483 = arith.cmpi eq, %select_n3A_255, %eq3A_482 : vector<16xi32>
      %jit3A_484 = arith.constant 1.000000e+00 : f32
      %jit3A_485 = arith.constant 0.000000e+00 : f32
      %broadcast_in_dim3A_486 = vector.broadcast %jit3A_484 : f32 to vector<16xf32>
      %broadcast_in_dim3A_487 = vector.broadcast %jit3A_485 : f32 to vector<16xf32>
      %select_n3A_488 = arith.select %eq3A_483, %broadcast_in_dim3A_486, %broadcast_in_dim3A_487 : vector<16xi1>, vector<16xf32>
      %eq3A_489 = arith.constant 6 : i32
      %eq3A_490 = vector.broadcast %eq3A_489 : i32 to vector<16xi32>
      %eq3A_491 = arith.cmpi eq, %select_n3A_330, %eq3A_490 : vector<16xi32>
      %jit3A_492 = arith.constant 1.000000e+00 : f32
      %jit3A_493 = arith.constant 0.000000e+00 : f32
      %broadcast_in_dim3A_494 = vector.broadcast %jit3A_492 : f32 to vector<16xf32>
      %broadcast_in_dim3A_495 = vector.broadcast %jit3A_493 : f32 to vector<16xf32>
      %select_n3A_496 = arith.select %eq3A_491, %broadcast_in_dim3A_494, %broadcast_in_dim3A_495 : vector<16xi1>, vector<16xf32>
      %add3A_497 = arith.addf %select_n3A_488, %select_n3A_496 : vector<16xf32>
      %add3A_498 = arith.addf %scan3A_131, %add3A_497 : vector<16xf32>
      %eq3A_499 = arith.constant 7 : i32
      %eq3A_500 = vector.broadcast %eq3A_499 : i32 to vector<16xi32>
      %eq3A_501 = arith.cmpi eq, %select_n3A_255, %eq3A_500 : vector<16xi32>
      %jit3A_502 = arith.constant 1.000000e+00 : f32
      %jit3A_503 = arith.constant 0.000000e+00 : f32
      %broadcast_in_dim3A_504 = vector.broadcast %jit3A_502 : f32 to vector<16xf32>
      %broadcast_in_dim3A_505 = vector.broadcast %jit3A_503 : f32 to vector<16xf32>
      %select_n3A_506 = arith.select %eq3A_501, %broadcast_in_dim3A_504, %broadcast_in_dim3A_505 : vector<16xi1>, vector<16xf32>
      %eq3A_507 = arith.constant 7 : i32
      %eq3A_508 = vector.broadcast %eq3A_507 : i32 to vector<16xi32>
      %eq3A_509 = arith.cmpi eq, %select_n3A_330, %eq3A_508 : vector<16xi32>
      %jit3A_510 = arith.constant 1.000000e+00 : f32
      %jit3A_511 = arith.constant 0.000000e+00 : f32
      %broadcast_in_dim3A_512 = vector.broadcast %jit3A_510 : f32 to vector<16xf32>
      %broadcast_in_dim3A_513 = vector.broadcast %jit3A_511 : f32 to vector<16xf32>
      %select_n3A_514 = arith.select %eq3A_509, %broadcast_in_dim3A_512, %broadcast_in_dim3A_513 : vector<16xi1>, vector<16xf32>
      %add3A_515 = arith.addf %select_n3A_506, %select_n3A_514 : vector<16xf32>
      %add3A_516 = arith.addf %scan3A_132, %add3A_515 : vector<16xf32>
      %scan3A_517 = arith.constant 1 : i32
      %scan3A_518 = arith.addi %scan3A_116, %scan3A_517 : i32
      %mul3A_519 = arith.constant 16 : i32
      %mul3A_520 = arith.muli %scan3A_518, %mul3A_519 : i32
      %get3A_521 = arith.constant 0 : i32
      %get3A_522 = arith.index_cast %get3A_521 : i32 to index
      %get3A_523 = arith.index_cast %mul3A_520 : i32 to index
      %get3A_524 = tpu.vector_load %arg6[%get3A_522, %get3A_523] {strides = array<i32>} : memref<8x1024xf32, #tpu.memory_space<vmem>>, vector<1x16xf32>,
      %get3A_525 = vector.shape_cast %get3A_524 : vector<1x16xf32> to vector<16xf32>
      %mul3A_526 = arith.constant 16 : i32
      %mul3A_527 = arith.muli %scan3A_518, %mul3A_526 : i32
      %get3A_528 = arith.constant 1 : i32
      %get3A_529 = arith.index_cast %get3A_528 : i32 to index
      %get3A_530 = arith.index_cast %mul3A_527 : i32 to index
      %get3A_531 = tpu.vector_load %arg6[%get3A_529, %get3A_530] {strides = array<i32>} : memref<8x1024xf32, #tpu.memory_space<vmem>>, vector<1x16xf32>,
      %get3A_532 = vector.shape_cast %get3A_531 : vector<1x16xf32> to vector<16xf32>
      %mul3A_533 = arith.constant 16 : i32
      %mul3A_534 = arith.muli %scan3A_518, %mul3A_533 : i32
      %get3A_535 = arith.constant 2 : i32
      %get3A_536 = arith.index_cast %get3A_535 : i32 to index
      %get3A_537 = arith.index_cast %mul3A_534 : i32 to index
      %get3A_538 = tpu.vector_load %arg6[%get3A_536, %get3A_537] {strides = array<i32>} : memref<8x1024xf32, #tpu.memory_space<vmem>>, vector<1x16xf32>,
      %get3A_539 = vector.shape_cast %get3A_538 : vector<1x16xf32> to vector<16xf32>
      %mul3A_540 = arith.constant 16 : i32
      %mul3A_541 = arith.muli %scan3A_518, %mul3A_540 : i32
      %get3A_542 = arith.constant 3 : i32
      %get3A_543 = arith.index_cast %get3A_542 : i32 to index
      %get3A_544 = arith.index_cast %mul3A_541 : i32 to index
      %get3A_545 = tpu.vector_load %arg6[%get3A_543, %get3A_544] {strides = array<i32>} : memref<8x1024xf32, #tpu.memory_space<vmem>>, vector<1x16xf32>,
      %get3A_546 = vector.shape_cast %get3A_545 : vector<1x16xf32> to vector<16xf32>
      %mul3A_547 = arith.constant 16 : i32
      %mul3A_548 = arith.muli %scan3A_518, %mul3A_547 : i32
      %get3A_549 = arith.constant 4 : i32
      %get3A_550 = arith.index_cast %get3A_549 : i32 to index
      %get3A_551 = arith.index_cast %mul3A_548 : i32 to index
      %get3A_552 = tpu.vector_load %arg6[%get3A_550, %get3A_551] {strides = array<i32>} : memref<8x1024xf32, #tpu.memory_space<vmem>>, vector<1x16xf32>,
      %get3A_553 = vector.shape_cast %get3A_552 : vector<1x16xf32> to vector<16xf32>
      %mul3A_554 = arith.constant 16 : i32
      %mul3A_555 = arith.muli %scan3A_518, %mul3A_554 : i32
      %get3A_556 = arith.constant 5 : i32
      %get3A_557 = arith.index_cast %get3A_556 : i32 to index
      %get3A_558 = arith.index_cast %mul3A_555 : i32 to index
      %get3A_559 = tpu.vector_load %arg6[%get3A_557, %get3A_558] {strides = array<i32>} : memref<8x1024xf32, #tpu.memory_space<vmem>>, vector<1x16xf32>,
      %get3A_560 = vector.shape_cast %get3A_559 : vector<1x16xf32> to vector<16xf32>
      %mul3A_561 = arith.constant 16 : i32
      %mul3A_562 = arith.muli %scan3A_518, %mul3A_561 : i32
      %get3A_563 = arith.constant 6 : i32
      %get3A_564 = arith.index_cast %get3A_563 : i32 to index
      %get3A_565 = arith.index_cast %mul3A_562 : i32 to index
      %get3A_566 = tpu.vector_load %arg6[%get3A_564, %get3A_565] {strides = array<i32>} : memref<8x1024xf32, #tpu.memory_space<vmem>>, vector<1x16xf32>,
      %get3A_567 = vector.shape_cast %get3A_566 : vector<1x16xf32> to vector<16xf32>
      %mul3A_568 = arith.constant 16 : i32
      %mul3A_569 = arith.muli %scan3A_518, %mul3A_568 : i32
      %get3A_570 = arith.constant 7 : i32
      %get3A_571 = arith.index_cast %get3A_570 : i32 to index
      %get3A_572 = arith.index_cast %mul3A_569 : i32 to index
      %get3A_573 = tpu.vector_load %arg6[%get3A_571, %get3A_572] {strides = array<i32>} : memref<8x1024xf32, #tpu.memory_space<vmem>>, vector<1x16xf32>,
      %get3A_574 = vector.shape_cast %get3A_573 : vector<1x16xf32> to vector<16xf32>
      %max3A_575 = arith.maximumf %get3A_525, %get3A_532 : vector<16xf32>
      %max3A_576 = arith.maximumf %max3A_575, %get3A_539 : vector<16xf32>
      %max3A_577 = arith.maximumf %max3A_576, %get3A_546 : vector<16xf32>
      %max3A_578 = arith.maximumf %max3A_577, %get3A_553 : vector<16xf32>
      %max3A_579 = arith.maximumf %max3A_578, %get3A_560 : vector<16xf32>
      %max3A_580 = arith.maximumf %max3A_579, %get3A_567 : vector<16xf32>
      %max3A_581 = arith.maximumf %max3A_580, %get3A_574 : vector<16xf32>
      %sub3A_582 = arith.subf %get3A_525, %max3A_581 : vector<16xf32>
      %exp3A_583 = math.exp %sub3A_582 : vector<16xf32>
      %sub3A_584 = arith.subf %get3A_532, %max3A_581 : vector<16xf32>
      %exp3A_585 = math.exp %sub3A_584 : vector<16xf32>
      %sub3A_586 = arith.subf %get3A_539, %max3A_581 : vector<16xf32>
      %exp3A_587 = math.exp %sub3A_586 : vector<16xf32>
      %sub3A_588 = arith.subf %get3A_546, %max3A_581 : vector<16xf32>
      %exp3A_589 = math.exp %sub3A_588 : vector<16xf32>
      %sub3A_590 = arith.subf %get3A_553, %max3A_581 : vector<16xf32>
      %exp3A_591 = math.exp %sub3A_590 : vector<16xf32>
      %sub3A_592 = arith.subf %get3A_560, %max3A_581 : vector<16xf32>
      %exp3A_593 = math.exp %sub3A_592 : vector<16xf32>
      %sub3A_594 = arith.subf %get3A_567, %max3A_581 : vector<16xf32>
      %exp3A_595 = math.exp %sub3A_594 : vector<16xf32>
      %sub3A_596 = arith.subf %get3A_574, %max3A_581 : vector<16xf32>
      %exp3A_597 = math.exp %sub3A_596 : vector<16xf32>
      %add3A_598 = arith.addf %exp3A_583, %exp3A_585 : vector<16xf32>
      %add3A_599 = arith.addf %add3A_598, %exp3A_587 : vector<16xf32>
      %add3A_600 = arith.addf %add3A_599, %exp3A_589 : vector<16xf32>
      %add3A_601 = arith.addf %add3A_600, %exp3A_591 : vector<16xf32>
      %add3A_602 = arith.addf %add3A_601, %exp3A_593 : vector<16xf32>
      %add3A_603 = arith.addf %add3A_602, %exp3A_595 : vector<16xf32>
      %add3A_604 = arith.addf %add3A_603, %exp3A_597 : vector<16xf32>
      %div3A_605 = arith.divf %exp3A_583, %add3A_604 : vector<16xf32>
      %div3A_606 = arith.divf %exp3A_585, %add3A_604 : vector<16xf32>
      %div3A_607 = arith.divf %exp3A_587, %add3A_604 : vector<16xf32>
      %div3A_608 = arith.divf %exp3A_589, %add3A_604 : vector<16xf32>
      %div3A_609 = arith.divf %exp3A_591, %add3A_604 : vector<16xf32>
      %div3A_610 = arith.divf %exp3A_593, %add3A_604 : vector<16xf32>
      %div3A_611 = arith.divf %exp3A_595, %add3A_604 : vector<16xf32>
      %div3A_612 = arith.divf %exp3A_597, %add3A_604 : vector<16xf32>
      %broadcast_in_dim3A_613 = arith.constant 0 : i32
      %broadcast_in_dim3A_614 = vector.broadcast %broadcast_in_dim3A_613 : i32 to vector<16xi32>
      %gt3A_615 = arith.cmpf ogt, %div3A_606, %div3A_605 : vector<16xf32>
      %select_n3A_616 = arith.select %gt3A_615, %div3A_606, %div3A_605 : vector<16xi1>, vector<16xf32>
      %jit3A_617 = arith.constant 1 : i32
      %broadcast_in_dim3A_618 = vector.broadcast %jit3A_617 : i32 to vector<16xi32>
      %select_n3A_619 = arith.select %gt3A_615, %broadcast_in_dim3A_618, %broadcast_in_dim3A_614 : vector<16xi1>, vector<16xi32>
      %gt3A_620 = arith.cmpf ogt, %div3A_607, %select_n3A_616 : vector<16xf32>
      %select_n3A_621 = arith.select %gt3A_620, %div3A_607, %select_n3A_616 : vector<16xi1>, vector<16xf32>
      %jit3A_622 = arith.constant 2 : i32
      %broadcast_in_dim3A_623 = vector.broadcast %jit3A_622 : i32 to vector<16xi32>
      %select_n3A_624 = arith.select %gt3A_620, %broadcast_in_dim3A_623, %select_n3A_619 : vector<16xi1>, vector<16xi32>
      %gt3A_625 = arith.cmpf ogt, %div3A_608, %select_n3A_621 : vector<16xf32>
      %select_n3A_626 = arith.select %gt3A_625, %div3A_608, %select_n3A_621 : vector<16xi1>, vector<16xf32>
      %jit3A_627 = arith.constant 3 : i32
      %broadcast_in_dim3A_628 = vector.broadcast %jit3A_627 : i32 to vector<16xi32>
      %select_n3A_629 = arith.select %gt3A_625, %broadcast_in_dim3A_628, %select_n3A_624 : vector<16xi1>, vector<16xi32>
      %gt3A_630 = arith.cmpf ogt, %div3A_609, %select_n3A_626 : vector<16xf32>
      %select_n3A_631 = arith.select %gt3A_630, %div3A_609, %select_n3A_626 : vector<16xi1>, vector<16xf32>
      %jit3A_632 = arith.constant 4 : i32
      %broadcast_in_dim3A_633 = vector.broadcast %jit3A_632 : i32 to vector<16xi32>
      %select_n3A_634 = arith.select %gt3A_630, %broadcast_in_dim3A_633, %select_n3A_629 : vector<16xi1>, vector<16xi32>
      %gt3A_635 = arith.cmpf ogt, %div3A_610, %select_n3A_631 : vector<16xf32>
      %select_n3A_636 = arith.select %gt3A_635, %div3A_610, %select_n3A_631 : vector<16xi1>, vector<16xf32>
      %jit3A_637 = arith.constant 5 : i32
      %broadcast_in_dim3A_638 = vector.broadcast %jit3A_637 : i32 to vector<16xi32>
      %select_n3A_639 = arith.select %gt3A_635, %broadcast_in_dim3A_638, %select_n3A_634 : vector<16xi1>, vector<16xi32>
      %gt3A_640 = arith.cmpf ogt, %div3A_611, %select_n3A_636 : vector<16xf32>
      %select_n3A_641 = arith.select %gt3A_640, %div3A_611, %select_n3A_636 : vector<16xi1>, vector<16xf32>
      %jit3A_642 = arith.constant 6 : i32
      %broadcast_in_dim3A_643 = vector.broadcast %jit3A_642 : i32 to vector<16xi32>
      %select_n3A_644 = arith.select %gt3A_640, %broadcast_in_dim3A_643, %select_n3A_639 : vector<16xi1>, vector<16xi32>
      %gt3A_645 = arith.cmpf ogt, %div3A_612, %select_n3A_641 : vector<16xf32>
      %select_n3A_646 = arith.select %gt3A_645, %div3A_612, %select_n3A_641 : vector<16xi1>, vector<16xf32>
      %jit3A_647 = arith.constant 7 : i32
      %broadcast_in_dim3A_648 = vector.broadcast %jit3A_647 : i32 to vector<16xi32>
      %select_n3A_649 = arith.select %gt3A_645, %broadcast_in_dim3A_648, %select_n3A_644 : vector<16xi1>, vector<16xi32>
      %sub3A_650 = arith.constant 1.000000e+00 : f32
      %sub3A_651 = vector.broadcast %sub3A_650 : f32 to vector<16xf32>
      %sub3A_652 = arith.subf %broadcast_in_dim3A_15, %sub3A_651 : vector<16xf32>
      %broadcast_in_dim3A_653 = arith.constant 0 : i32
      %broadcast_in_dim3A_654 = vector.broadcast %broadcast_in_dim3A_653 : i32 to vector<16xi32>
      %gt3A_655 = arith.cmpf ogt, %div3A_605, %sub3A_652 : vector<16xf32>
      %ne3A_656 = arith.constant 0 : i32
      %ne3A_657 = vector.broadcast %ne3A_656 : i32 to vector<16xi32>
      %ne3A_658 = arith.cmpi ne, %select_n3A_649, %ne3A_657 : vector<16xi32>
      %and3A_659 = arith.andi %gt3A_655, %ne3A_658 : vector<16xi1>
      %select_n3A_660 = arith.select %and3A_659, %div3A_605, %sub3A_652 : vector<16xi1>, vector<16xf32>
      %jit3A_661 = arith.constant 0 : i32
      %broadcast_in_dim3A_662 = vector.broadcast %jit3A_661 : i32 to vector<16xi32>
      %select_n3A_663 = arith.select %and3A_659, %broadcast_in_dim3A_662, %broadcast_in_dim3A_654 : vector<16xi1>, vector<16xi32>
      %gt3A_664 = arith.cmpf ogt, %div3A_606, %select_n3A_660 : vector<16xf32>
      %ne3A_665 = arith.constant 1 : i32
      %ne3A_666 = vector.broadcast %ne3A_665 : i32 to vector<16xi32>
      %ne3A_667 = arith.cmpi ne, %select_n3A_649, %ne3A_666 : vector<16xi32>
      %and3A_668 = arith.andi %gt3A_664, %ne3A_667 : vector<16xi1>
      %select_n3A_669 = arith.select %and3A_668, %div3A_606, %select_n3A_660 : vector<16xi1>, vector<16xf32>
      %jit3A_670 = arith.constant 1 : i32
      %broadcast_in_dim3A_671 = vector.broadcast %jit3A_670 : i32 to vector<16xi32>
      %select_n3A_672 = arith.select %and3A_668, %broadcast_in_dim3A_671, %select_n3A_663 : vector<16xi1>, vector<16xi32>
      %gt3A_673 = arith.cmpf ogt, %div3A_607, %select_n3A_669 : vector<16xf32>
      %ne3A_674 = arith.constant 2 : i32
      %ne3A_675 = vector.broadcast %ne3A_674 : i32 to vector<16xi32>
      %ne3A_676 = arith.cmpi ne, %select_n3A_649, %ne3A_675 : vector<16xi32>
      %and3A_677 = arith.andi %gt3A_673, %ne3A_676 : vector<16xi1>
      %select_n3A_678 = arith.select %and3A_677, %div3A_607, %select_n3A_669 : vector<16xi1>, vector<16xf32>
      %jit3A_679 = arith.constant 2 : i32
      %broadcast_in_dim3A_680 = vector.broadcast %jit3A_679 : i32 to vector<16xi32>
      %select_n3A_681 = arith.select %and3A_677, %broadcast_in_dim3A_680, %select_n3A_672 : vector<16xi1>, vector<16xi32>
      %gt3A_682 = arith.cmpf ogt, %div3A_608, %select_n3A_678 : vector<16xf32>
      %ne3A_683 = arith.constant 3 : i32
      %ne3A_684 = vector.broadcast %ne3A_683 : i32 to vector<16xi32>
      %ne3A_685 = arith.cmpi ne, %select_n3A_649, %ne3A_684 : vector<16xi32>
      %and3A_686 = arith.andi %gt3A_682, %ne3A_685 : vector<16xi1>
      %select_n3A_687 = arith.select %and3A_686, %div3A_608, %select_n3A_678 : vector<16xi1>, vector<16xf32>
      %jit3A_688 = arith.constant 3 : i32
      %broadcast_in_dim3A_689 = vector.broadcast %jit3A_688 : i32 to vector<16xi32>
      %select_n3A_690 = arith.select %and3A_686, %broadcast_in_dim3A_689, %select_n3A_681 : vector<16xi1>, vector<16xi32>
      %gt3A_691 = arith.cmpf ogt, %div3A_609, %select_n3A_687 : vector<16xf32>
      %ne3A_692 = arith.constant 4 : i32
      %ne3A_693 = vector.broadcast %ne3A_692 : i32 to vector<16xi32>
      %ne3A_694 = arith.cmpi ne, %select_n3A_649, %ne3A_693 : vector<16xi32>
      %and3A_695 = arith.andi %gt3A_691, %ne3A_694 : vector<16xi1>
      %select_n3A_696 = arith.select %and3A_695, %div3A_609, %select_n3A_687 : vector<16xi1>, vector<16xf32>
      %jit3A_697 = arith.constant 4 : i32
      %broadcast_in_dim3A_698 = vector.broadcast %jit3A_697 : i32 to vector<16xi32>
      %select_n3A_699 = arith.select %and3A_695, %broadcast_in_dim3A_698, %select_n3A_690 : vector<16xi1>, vector<16xi32>
      %gt3A_700 = arith.cmpf ogt, %div3A_610, %select_n3A_696 : vector<16xf32>
      %ne3A_701 = arith.constant 5 : i32
      %ne3A_702 = vector.broadcast %ne3A_701 : i32 to vector<16xi32>
      %ne3A_703 = arith.cmpi ne, %select_n3A_649, %ne3A_702 : vector<16xi32>
      %and3A_704 = arith.andi %gt3A_700, %ne3A_703 : vector<16xi1>
      %select_n3A_705 = arith.select %and3A_704, %div3A_610, %select_n3A_696 : vector<16xi1>, vector<16xf32>
      %jit3A_706 = arith.constant 5 : i32
      %broadcast_in_dim3A_707 = vector.broadcast %jit3A_706 : i32 to vector<16xi32>
      %select_n3A_708 = arith.select %and3A_704, %broadcast_in_dim3A_707, %select_n3A_699 : vector<16xi1>, vector<16xi32>
      %gt3A_709 = arith.cmpf ogt, %div3A_611, %select_n3A_705 : vector<16xf32>
      %ne3A_710 = arith.constant 6 : i32
      %ne3A_711 = vector.broadcast %ne3A_710 : i32 to vector<16xi32>
      %ne3A_712 = arith.cmpi ne, %select_n3A_649, %ne3A_711 : vector<16xi32>
      %and3A_713 = arith.andi %gt3A_709, %ne3A_712 : vector<16xi1>
      %select_n3A_714 = arith.select %and3A_713, %div3A_611, %select_n3A_705 : vector<16xi1>, vector<16xf32>
      %jit3A_715 = arith.constant 6 : i32
      %broadcast_in_dim3A_716 = vector.broadcast %jit3A_715 : i32 to vector<16xi32>
      %select_n3A_717 = arith.select %and3A_713, %broadcast_in_dim3A_716, %select_n3A_708 : vector<16xi1>, vector<16xi32>
      %gt3A_718 = arith.cmpf ogt, %div3A_612, %select_n3A_714 : vector<16xf32>
      %ne3A_719 = arith.constant 7 : i32
      %ne3A_720 = vector.broadcast %ne3A_719 : i32 to vector<16xi32>
      %ne3A_721 = arith.cmpi ne, %select_n3A_649, %ne3A_720 : vector<16xi32>
      %and3A_722 = arith.andi %gt3A_718, %ne3A_721 : vector<16xi1>
      %select_n3A_723 = arith.select %and3A_722, %div3A_612, %select_n3A_714 : vector<16xi1>, vector<16xf32>
      %jit3A_724 = arith.constant 7 : i32
      %broadcast_in_dim3A_725 = vector.broadcast %jit3A_724 : i32 to vector<16xi32>
      %select_n3A_726 = arith.select %and3A_722, %broadcast_in_dim3A_725, %select_n3A_717 : vector<16xi1>, vector<16xi32>
      %add3A_727 = arith.addf %select_n3A_646, %select_n3A_723 : vector<16xf32>
      %div3A_728 = arith.divf %select_n3A_646, %add3A_727 : vector<16xf32>
      %mul3A_729 = arith.constant 16 : i32
      %mul3A_730 = arith.muli %scan3A_518, %mul3A_729 : i32
      %swap3A_731 = arith.constant 0 : i32
      %swap3A_732 = arith.index_cast %swap3A_731 : i32 to index
      %swap3A_733 = arith.index_cast %mul3A_730 : i32 to index
      %swap3A_734 = tpu.vector_load %arg7[%swap3A_732, %swap3A_733] {strides = array<i32>} : memref<2x1024xf32, #tpu.memory_space<vmem>>, vector<1x16xf32>,
      %swap3A_735 = vector.shape_cast %swap3A_734 : vector<1x16xf32> to vector<16xf32>
      %swap3A_736 = vector.shape_cast %div3A_728 : vector<16xf32> to vector<1x16xf32>
      tpu.vector_store %arg7[%swap3A_732, %swap3A_733], %swap3A_736 {strides = array<i32>} : memref<2x1024xf32, #tpu.memory_space<vmem>>, vector<1x16xf32>,
      %div3A_737 = arith.divf %select_n3A_723, %add3A_727 : vector<16xf32>
      %mul3A_738 = arith.constant 16 : i32
      %mul3A_739 = arith.muli %scan3A_518, %mul3A_738 : i32
      %swap3A_740 = arith.constant 1 : i32
      %swap3A_741 = arith.index_cast %swap3A_740 : i32 to index
      %swap3A_742 = arith.index_cast %mul3A_739 : i32 to index
      %swap3A_743 = tpu.vector_load %arg7[%swap3A_741, %swap3A_742] {strides = array<i32>} : memref<2x1024xf32, #tpu.memory_space<vmem>>, vector<1x16xf32>,
      %swap3A_744 = vector.shape_cast %swap3A_743 : vector<1x16xf32> to vector<16xf32>
      %swap3A_745 = vector.shape_cast %div3A_737 : vector<16xf32> to vector<1x16xf32>
      tpu.vector_store %arg7[%swap3A_741, %swap3A_742], %swap3A_745 {strides = array<i32>} : memref<2x1024xf32, #tpu.memory_space<vmem>>, vector<1x16xf32>,
      %mul3A_746 = arith.constant 16 : i32
      %mul3A_747 = arith.muli %scan3A_518, %mul3A_746 : i32
      %swap3A_748 = arith.constant 0 : i32
      %swap3A_749 = arith.index_cast %swap3A_748 : i32 to index
      %swap3A_750 = arith.index_cast %mul3A_747 : i32 to index
      %swap3A_751 = tpu.vector_load %arg8[%swap3A_749, %swap3A_750] {strides = array<i32>} : memref<2x1024xi32, #tpu.memory_space<vmem>>, vector<1x16xi32>,
      %swap3A_752 = vector.shape_cast %swap3A_751 : vector<1x16xi32> to vector<16xi32>
      %swap3A_753 = vector.shape_cast %select_n3A_649 : vector<16xi32> to vector<1x16xi32>
      tpu.vector_store %arg8[%swap3A_749, %swap3A_750], %swap3A_753 {strides = array<i32>} : memref<2x1024xi32, #tpu.memory_space<vmem>>, vector<1x16xi32>,
      %mul3A_754 = arith.constant 16 : i32
      %mul3A_755 = arith.muli %scan3A_518, %mul3A_754 : i32
      %swap3A_756 = arith.constant 1 : i32
      %swap3A_757 = arith.index_cast %swap3A_756 : i32 to index
      %swap3A_758 = arith.index_cast %mul3A_755 : i32 to index
      %swap3A_759 = tpu.vector_load %arg8[%swap3A_757, %swap3A_758] {strides = array<i32>} : memref<2x1024xi32, #tpu.memory_space<vmem>>, vector<1x16xi32>,
      %swap3A_760 = vector.shape_cast %swap3A_759 : vector<1x16xi32> to vector<16xi32>
      %swap3A_761 = vector.shape_cast %select_n3A_726 : vector<16xi32> to vector<1x16xi32>
      tpu.vector_store %arg8[%swap3A_757, %swap3A_758], %swap3A_761 {strides = array<i32>} : memref<2x1024xi32, #tpu.memory_space<vmem>>, vector<1x16xi32>,
      %add3A_762 = arith.addf %add3A_366, %div3A_605 : vector<16xf32>
      %add3A_763 = arith.addf %add3A_367, %div3A_606 : vector<16xf32>
      %add3A_764 = arith.addf %add3A_368, %div3A_607 : vector<16xf32>
      %add3A_765 = arith.addf %add3A_369, %div3A_608 : vector<16xf32>
      %add3A_766 = arith.addf %add3A_370, %div3A_609 : vector<16xf32>
      %add3A_767 = arith.addf %add3A_371, %div3A_610 : vector<16xf32>
      %add3A_768 = arith.addf %add3A_372, %div3A_611 : vector<16xf32>
      %add3A_769 = arith.addf %add3A_373, %div3A_612 : vector<16xf32>
      %eq3A_770 = arith.constant 0 : i32
      %eq3A_771 = vector.broadcast %eq3A_770 : i32 to vector<16xi32>
      %eq3A_772 = arith.cmpi eq, %select_n3A_649, %eq3A_771 : vector<16xi32>
      %jit3A_773 = arith.constant 1.000000e+00 : f32
      %jit3A_774 = arith.constant 0.000000e+00 : f32
      %broadcast_in_dim3A_775 = vector.broadcast %jit3A_773 : f32 to vector<16xf32>
      %broadcast_in_dim3A_776 = vector.broadcast %jit3A_774 : f32 to vector<16xf32>
      %select_n3A_777 = arith.select %eq3A_772, %broadcast_in_dim3A_775, %broadcast_in_dim3A_776 : vector<16xi1>, vector<16xf32>
      %eq3A_778 = arith.constant 0 : i32
      %eq3A_779 = vector.broadcast %eq3A_778 : i32 to vector<16xi32>
      %eq3A_780 = arith.cmpi eq, %select_n3A_726, %eq3A_779 : vector<16xi32>
      %jit3A_781 = arith.constant 1.000000e+00 : f32
      %jit3A_782 = arith.constant 0.000000e+00 : f32
      %broadcast_in_dim3A_783 = vector.broadcast %jit3A_781 : f32 to vector<16xf32>
      %broadcast_in_dim3A_784 = vector.broadcast %jit3A_782 : f32 to vector<16xf32>
      %select_n3A_785 = arith.select %eq3A_780, %broadcast_in_dim3A_783, %broadcast_in_dim3A_784 : vector<16xi1>, vector<16xf32>
      %add3A_786 = arith.addf %select_n3A_777, %select_n3A_785 : vector<16xf32>
      %add3A_787 = arith.addf %add3A_390, %add3A_786 : vector<16xf32>
      %eq3A_788 = arith.constant 1 : i32
      %eq3A_789 = vector.broadcast %eq3A_788 : i32 to vector<16xi32>
      %eq3A_790 = arith.cmpi eq, %select_n3A_649, %eq3A_789 : vector<16xi32>
      %jit3A_791 = arith.constant 1.000000e+00 : f32
      %jit3A_792 = arith.constant 0.000000e+00 : f32
      %broadcast_in_dim3A_793 = vector.broadcast %jit3A_791 : f32 to vector<16xf32>
      %broadcast_in_dim3A_794 = vector.broadcast %jit3A_792 : f32 to vector<16xf32>
      %select_n3A_795 = arith.select %eq3A_790, %broadcast_in_dim3A_793, %broadcast_in_dim3A_794 : vector<16xi1>, vector<16xf32>
      %eq3A_796 = arith.constant 1 : i32
      %eq3A_797 = vector.broadcast %eq3A_796 : i32 to vector<16xi32>
      %eq3A_798 = arith.cmpi eq, %select_n3A_726, %eq3A_797 : vector<16xi32>
      %jit3A_799 = arith.constant 1.000000e+00 : f32
      %jit3A_800 = arith.constant 0.000000e+00 : f32
      %broadcast_in_dim3A_801 = vector.broadcast %jit3A_799 : f32 to vector<16xf32>
      %broadcast_in_dim3A_802 = vector.broadcast %jit3A_800 : f32 to vector<16xf32>
      %select_n3A_803 = arith.select %eq3A_798, %broadcast_in_dim3A_801, %broadcast_in_dim3A_802 : vector<16xi1>, vector<16xf32>
      %add3A_804 = arith.addf %select_n3A_795, %select_n3A_803 : vector<16xf32>
      %add3A_805 = arith.addf %add3A_408, %add3A_804 : vector<16xf32>
      %eq3A_806 = arith.constant 2 : i32
      %eq3A_807 = vector.broadcast %eq3A_806 : i32 to vector<16xi32>
      %eq3A_808 = arith.cmpi eq, %select_n3A_649, %eq3A_807 : vector<16xi32>
      %jit3A_809 = arith.constant 1.000000e+00 : f32
      %jit3A_810 = arith.constant 0.000000e+00 : f32
      %broadcast_in_dim3A_811 = vector.broadcast %jit3A_809 : f32 to vector<16xf32>
      %broadcast_in_dim3A_812 = vector.broadcast %jit3A_810 : f32 to vector<16xf32>
      %select_n3A_813 = arith.select %eq3A_808, %broadcast_in_dim3A_811, %broadcast_in_dim3A_812 : vector<16xi1>, vector<16xf32>
      %eq3A_814 = arith.constant 2 : i32
      %eq3A_815 = vector.broadcast %eq3A_814 : i32 to vector<16xi32>
      %eq3A_816 = arith.cmpi eq, %select_n3A_726, %eq3A_815 : vector<16xi32>
      %jit3A_817 = arith.constant 1.000000e+00 : f32
      %jit3A_818 = arith.constant 0.000000e+00 : f32
      %broadcast_in_dim3A_819 = vector.broadcast %jit3A_817 : f32 to vector<16xf32>
      %broadcast_in_dim3A_820 = vector.broadcast %jit3A_818 : f32 to vector<16xf32>
      %select_n3A_821 = arith.select %eq3A_816, %broadcast_in_dim3A_819, %broadcast_in_dim3A_820 : vector<16xi1>, vector<16xf32>
      %add3A_822 = arith.addf %select_n3A_813, %select_n3A_821 : vector<16xf32>
      %add3A_823 = arith.addf %add3A_426, %add3A_822 : vector<16xf32>
      %eq3A_824 = arith.constant 3 : i32
      %eq3A_825 = vector.broadcast %eq3A_824 : i32 to vector<16xi32>
      %eq3A_826 = arith.cmpi eq, %select_n3A_649, %eq3A_825 : vector<16xi32>
      %jit3A_827 = arith.constant 1.000000e+00 : f32
      %jit3A_828 = arith.constant 0.000000e+00 : f32
      %broadcast_in_dim3A_829 = vector.broadcast %jit3A_827 : f32 to vector<16xf32>
      %broadcast_in_dim3A_830 = vector.broadcast %jit3A_828 : f32 to vector<16xf32>
      %select_n3A_831 = arith.select %eq3A_826, %broadcast_in_dim3A_829, %broadcast_in_dim3A_830 : vector<16xi1>, vector<16xf32>
      %eq3A_832 = arith.constant 3 : i32
      %eq3A_833 = vector.broadcast %eq3A_832 : i32 to vector<16xi32>
      %eq3A_834 = arith.cmpi eq, %select_n3A_726, %eq3A_833 : vector<16xi32>
      %jit3A_835 = arith.constant 1.000000e+00 : f32
      %jit3A_836 = arith.constant 0.000000e+00 : f32
      %broadcast_in_dim3A_837 = vector.broadcast %jit3A_835 : f32 to vector<16xf32>
      %broadcast_in_dim3A_838 = vector.broadcast %jit3A_836 : f32 to vector<16xf32>
      %select_n3A_839 = arith.select %eq3A_834, %broadcast_in_dim3A_837, %broadcast_in_dim3A_838 : vector<16xi1>, vector<16xf32>
      %add3A_840 = arith.addf %select_n3A_831, %select_n3A_839 : vector<16xf32>
      %add3A_841 = arith.addf %add3A_444, %add3A_840 : vector<16xf32>
      %eq3A_842 = arith.constant 4 : i32
      %eq3A_843 = vector.broadcast %eq3A_842 : i32 to vector<16xi32>
      %eq3A_844 = arith.cmpi eq, %select_n3A_649, %eq3A_843 : vector<16xi32>
      %jit3A_845 = arith.constant 1.000000e+00 : f32
      %jit3A_846 = arith.constant 0.000000e+00 : f32
      %broadcast_in_dim3A_847 = vector.broadcast %jit3A_845 : f32 to vector<16xf32>
      %broadcast_in_dim3A_848 = vector.broadcast %jit3A_846 : f32 to vector<16xf32>
      %select_n3A_849 = arith.select %eq3A_844, %broadcast_in_dim3A_847, %broadcast_in_dim3A_848 : vector<16xi1>, vector<16xf32>
      %eq3A_850 = arith.constant 4 : i32
      %eq3A_851 = vector.broadcast %eq3A_850 : i32 to vector<16xi32>
      %eq3A_852 = arith.cmpi eq, %select_n3A_726, %eq3A_851 : vector<16xi32>
      %jit3A_853 = arith.constant 1.000000e+00 : f32
      %jit3A_854 = arith.constant 0.000000e+00 : f32
      %broadcast_in_dim3A_855 = vector.broadcast %jit3A_853 : f32 to vector<16xf32>
      %broadcast_in_dim3A_856 = vector.broadcast %jit3A_854 : f32 to vector<16xf32>
      %select_n3A_857 = arith.select %eq3A_852, %broadcast_in_dim3A_855, %broadcast_in_dim3A_856 : vector<16xi1>, vector<16xf32>
      %add3A_858 = arith.addf %select_n3A_849, %select_n3A_857 : vector<16xf32>
      %add3A_859 = arith.addf %add3A_462, %add3A_858 : vector<16xf32>
      %eq3A_860 = arith.constant 5 : i32
      %eq3A_861 = vector.broadcast %eq3A_860 : i32 to vector<16xi32>
      %eq3A_862 = arith.cmpi eq, %select_n3A_649, %eq3A_861 : vector<16xi32>
      %jit3A_863 = arith.constant 1.000000e+00 : f32
      %jit3A_864 = arith.constant 0.000000e+00 : f32
      %broadcast_in_dim3A_865 = vector.broadcast %jit3A_863 : f32 to vector<16xf32>
      %broadcast_in_dim3A_866 = vector.broadcast %jit3A_864 : f32 to vector<16xf32>
      %select_n3A_867 = arith.select %eq3A_862, %broadcast_in_dim3A_865, %broadcast_in_dim3A_866 : vector<16xi1>, vector<16xf32>
      %eq3A_868 = arith.constant 5 : i32
      %eq3A_869 = vector.broadcast %eq3A_868 : i32 to vector<16xi32>
      %eq3A_870 = arith.cmpi eq, %select_n3A_726, %eq3A_869 : vector<16xi32>
      %jit3A_871 = arith.constant 1.000000e+00 : f32
      %jit3A_872 = arith.constant 0.000000e+00 : f32
      %broadcast_in_dim3A_873 = vector.broadcast %jit3A_871 : f32 to vector<16xf32>
      %broadcast_in_dim3A_874 = vector.broadcast %jit3A_872 : f32 to vector<16xf32>
      %select_n3A_875 = arith.select %eq3A_870, %broadcast_in_dim3A_873, %broadcast_in_dim3A_874 : vector<16xi1>, vector<16xf32>
      %add3A_876 = arith.addf %select_n3A_867, %select_n3A_875 : vector<16xf32>
      %add3A_877 = arith.addf %add3A_480, %add3A_876 : vector<16xf32>
      %eq3A_878 = arith.constant 6 : i32
      %eq3A_879 = vector.broadcast %eq3A_878 : i32 to vector<16xi32>
      %eq3A_880 = arith.cmpi eq, %select_n3A_649, %eq3A_879 : vector<16xi32>
      %jit3A_881 = arith.constant 1.000000e+00 : f32
      %jit3A_882 = arith.constant 0.000000e+00 : f32
      %broadcast_in_dim3A_883 = vector.broadcast %jit3A_881 : f32 to vector<16xf32>
      %broadcast_in_dim3A_884 = vector.broadcast %jit3A_882 : f32 to vector<16xf32>
      %select_n3A_885 = arith.select %eq3A_880, %broadcast_in_dim3A_883, %broadcast_in_dim3A_884 : vector<16xi1>, vector<16xf32>
      %eq3A_886 = arith.constant 6 : i32
      %eq3A_887 = vector.broadcast %eq3A_886 : i32 to vector<16xi32>
      %eq3A_888 = arith.cmpi eq, %select_n3A_726, %eq3A_887 : vector<16xi32>
      %jit3A_889 = arith.constant 1.000000e+00 : f32
      %jit3A_890 = arith.constant 0.000000e+00 : f32
      %broadcast_in_dim3A_891 = vector.broadcast %jit3A_889 : f32 to vector<16xf32>
      %broadcast_in_dim3A_892 = vector.broadcast %jit3A_890 : f32 to vector<16xf32>
      %select_n3A_893 = arith.select %eq3A_888, %broadcast_in_dim3A_891, %broadcast_in_dim3A_892 : vector<16xi1>, vector<16xf32>
      %add3A_894 = arith.addf %select_n3A_885, %select_n3A_893 : vector<16xf32>
      %add3A_895 = arith.addf %add3A_498, %add3A_894 : vector<16xf32>
      %eq3A_896 = arith.constant 7 : i32
      %eq3A_897 = vector.broadcast %eq3A_896 : i32 to vector<16xi32>
      %eq3A_898 = arith.cmpi eq, %select_n3A_649, %eq3A_897 : vector<16xi32>
      %jit3A_899 = arith.constant 1.000000e+00 : f32
      %jit3A_900 = arith.constant 0.000000e+00 : f32
      %broadcast_in_dim3A_901 = vector.broadcast %jit3A_899 : f32 to vector<16xf32>
      %broadcast_in_dim3A_902 = vector.broadcast %jit3A_900 : f32 to vector<16xf32>
      %select_n3A_903 = arith.select %eq3A_898, %broadcast_in_dim3A_901, %broadcast_in_dim3A_902 : vector<16xi1>, vector<16xf32>
      %eq3A_904 = arith.constant 7 : i32
      %eq3A_905 = vector.broadcast %eq3A_904 : i32 to vector<16xi32>
      %eq3A_906 = arith.cmpi eq, %select_n3A_726, %eq3A_905 : vector<16xi32>
      %jit3A_907 = arith.constant 1.000000e+00 : f32
      %jit3A_908 = arith.constant 0.000000e+00 : f32
      %broadcast_in_dim3A_909 = vector.broadcast %jit3A_907 : f32 to vector<16xf32>
      %broadcast_in_dim3A_910 = vector.broadcast %jit3A_908 : f32 to vector<16xf32>
      %select_n3A_911 = arith.select %eq3A_906, %broadcast_in_dim3A_909, %broadcast_in_dim3A_910 : vector<16xi1>, vector<16xf32>
      %add3A_912 = arith.addf %select_n3A_903, %select_n3A_911 : vector<16xf32>
      %add3A_913 = arith.addf %add3A_516, %add3A_912 : vector<16xf32>
      scf.yield %add3A_762, %add3A_763, %add3A_764, %add3A_765, %add3A_766, %add3A_767, %add3A_768, %add3A_769, %add3A_787, %add3A_805, %add3A_823, %add3A_841, %add3A_859, %add3A_877, %add3A_895, %add3A_913 : vector<16xf32>, vector<16xf32>, vector<16xf32>, vector<16xf32>, vector<16xf32>, vector<16xf32>, vector<16xf32>, vector<16xf32>, vector<16xf32>, vector<16xf32>, vector<16xf32>, vector<16xf32>, vector<16xf32>, vector<16xf32>, vector<16xf32>, vector<16xf32>
    }
    %scan3A_20 = arith.constant 64 : i32
    %swap3A = arith.constant 0 : i32
    %swap3A_21 = arith.index_cast %swap3A : i32 to index
    %swap3A_22 = arith.constant 0 : index
    %swap3A_23 = tpu.vector_load %arg9[%swap3A_21, %swap3A_22] {strides = array<i32>} : memref<16x16xf32, #tpu.memory_space<vmem>>, vector<1x16xf32>,
    %swap3A_24 = vector.shape_cast %swap3A_23 : vector<1x16xf32> to vector<16xf32>
    %swap3A_25 = vector.shape_cast %scan3A_19#0 : vector<16xf32> to vector<1x16xf32>
    tpu.vector_store %arg9[%swap3A_21, %swap3A_22], %swap3A_25 {strides = array<i32>} : memref<16x16xf32, #tpu.memory_space<vmem>>, vector<1x16xf32>,
    %swap3A_26 = arith.constant 1 : i32
    %swap3A_27 = arith.index_cast %swap3A_26 : i32 to index
    %swap3A_28 = arith.constant 0 : index
    %swap3A_29 = tpu.vector_load %arg9[%swap3A_27, %swap3A_28] {strides = array<i32>} : memref<16x16xf32, #tpu.memory_space<vmem>>, vector<1x16xf32>,
    %swap3A_30 = vector.shape_cast %swap3A_29 : vector<1x16xf32> to vector<16xf32>
    %swap3A_31 = vector.shape_cast %scan3A_19#1 : vector<16xf32> to vector<1x16xf32>
    tpu.vector_store %arg9[%swap3A_27, %swap3A_28], %swap3A_31 {strides = array<i32>} : memref<16x16xf32, #tpu.memory_space<vmem>>, vector<1x16xf32>,
    %swap3A_32 = arith.constant 2 : i32
    %swap3A_33 = arith.index_cast %swap3A_32 : i32 to index
    %swap3A_34 = arith.constant 0 : index
    %swap3A_35 = tpu.vector_load %arg9[%swap3A_33, %swap3A_34] {strides = array<i32>} : memref<16x16xf32, #tpu.memory_space<vmem>>, vector<1x16xf32>,
    %swap3A_36 = vector.shape_cast %swap3A_35 : vector<1x16xf32> to vector<16xf32>
    %swap3A_37 = vector.shape_cast %scan3A_19#2 : vector<16xf32> to vector<1x16xf32>
    tpu.vector_store %arg9[%swap3A_33, %swap3A_34], %swap3A_37 {strides = array<i32>} : memref<16x16xf32, #tpu.memory_space<vmem>>, vector<1x16xf32>,
    %swap3A_38 = arith.constant 3 : i32
    %swap3A_39 = arith.index_cast %swap3A_38 : i32 to index
    %swap3A_40 = arith.constant 0 : index
    %swap3A_41 = tpu.vector_load %arg9[%swap3A_39, %swap3A_40] {strides = array<i32>} : memref<16x16xf32, #tpu.memory_space<vmem>>, vector<1x16xf32>,
    %swap3A_42 = vector.shape_cast %swap3A_41 : vector<1x16xf32> to vector<16xf32>
    %swap3A_43 = vector.shape_cast %scan3A_19#3 : vector<16xf32> to vector<1x16xf32>
    tpu.vector_store %arg9[%swap3A_39, %swap3A_40], %swap3A_43 {strides = array<i32>} : memref<16x16xf32, #tpu.memory_space<vmem>>, vector<1x16xf32>,
    %swap3A_44 = arith.constant 4 : i32
    %swap3A_45 = arith.index_cast %swap3A_44 : i32 to index
    %swap3A_46 = arith.constant 0 : index
    %swap3A_47 = tpu.vector_load %arg9[%swap3A_45, %swap3A_46] {strides = array<i32>} : memref<16x16xf32, #tpu.memory_space<vmem>>, vector<1x16xf32>,
    %swap3A_48 = vector.shape_cast %swap3A_47 : vector<1x16xf32> to vector<16xf32>
    %swap3A_49 = vector.shape_cast %scan3A_19#4 : vector<16xf32> to vector<1x16xf32>
    tpu.vector_store %arg9[%swap3A_45, %swap3A_46], %swap3A_49 {strides = array<i32>} : memref<16x16xf32, #tpu.memory_space<vmem>>, vector<1x16xf32>,
    %swap3A_50 = arith.constant 5 : i32
    %swap3A_51 = arith.index_cast %swap3A_50 : i32 to index
    %swap3A_52 = arith.constant 0 : index
    %swap3A_53 = tpu.vector_load %arg9[%swap3A_51, %swap3A_52] {strides = array<i32>} : memref<16x16xf32, #tpu.memory_space<vmem>>, vector<1x16xf32>,
    %swap3A_54 = vector.shape_cast %swap3A_53 : vector<1x16xf32> to vector<16xf32>
    %swap3A_55 = vector.shape_cast %scan3A_19#5 : vector<16xf32> to vector<1x16xf32>
    tpu.vector_store %arg9[%swap3A_51, %swap3A_52], %swap3A_55 {strides = array<i32>} : memref<16x16xf32, #tpu.memory_space<vmem>>, vector<1x16xf32>,
    %swap3A_56 = arith.constant 6 : i32
    %swap3A_57 = arith.index_cast %swap3A_56 : i32 to index
    %swap3A_58 = arith.constant 0 : index
    %swap3A_59 = tpu.vector_load %arg9[%swap3A_57, %swap3A_58] {strides = array<i32>} : memref<16x16xf32, #tpu.memory_space<vmem>>, vector<1x16xf32>,
    %swap3A_60 = vector.shape_cast %swap3A_59 : vector<1x16xf32> to vector<16xf32>
    %swap3A_61 = vector.shape_cast %scan3A_19#6 : vector<16xf32> to vector<1x16xf32>
    tpu.vector_store %arg9[%swap3A_57, %swap3A_58], %swap3A_61 {strides = array<i32>} : memref<16x16xf32, #tpu.memory_space<vmem>>, vector<1x16xf32>,
    %swap3A_62 = arith.constant 7 : i32
    %swap3A_63 = arith.index_cast %swap3A_62 : i32 to index
    %swap3A_64 = arith.constant 0 : index
    %swap3A_65 = tpu.vector_load %arg9[%swap3A_63, %swap3A_64] {strides = array<i32>} : memref<16x16xf32, #tpu.memory_space<vmem>>, vector<1x16xf32>,
    %swap3A_66 = vector.shape_cast %swap3A_65 : vector<1x16xf32> to vector<16xf32>
    %swap3A_67 = vector.shape_cast %scan3A_19#7 : vector<16xf32> to vector<1x16xf32>
    tpu.vector_store %arg9[%swap3A_63, %swap3A_64], %swap3A_67 {strides = array<i32>} : memref<16x16xf32, #tpu.memory_space<vmem>>, vector<1x16xf32>,
    %swap3A_68 = arith.constant 8 : i32
    %swap3A_69 = arith.index_cast %swap3A_68 : i32 to index
    %swap3A_70 = arith.constant 0 : index
    %swap3A_71 = tpu.vector_load %arg9[%swap3A_69, %swap3A_70] {strides = array<i32>} : memref<16x16xf32, #tpu.memory_space<vmem>>, vector<1x16xf32>,
    %swap3A_72 = vector.shape_cast %swap3A_71 : vector<1x16xf32> to vector<16xf32>
    %swap3A_73 = vector.shape_cast %scan3A_19#8 : vector<16xf32> to vector<1x16xf32>
    tpu.vector_store %arg9[%swap3A_69, %swap3A_70], %swap3A_73 {strides = array<i32>} : memref<16x16xf32, #tpu.memory_space<vmem>>, vector<1x16xf32>,
    %swap3A_74 = arith.constant 9 : i32
    %swap3A_75 = arith.index_cast %swap3A_74 : i32 to index
    %swap3A_76 = arith.constant 0 : index
    %swap3A_77 = tpu.vector_load %arg9[%swap3A_75, %swap3A_76] {strides = array<i32>} : memref<16x16xf32, #tpu.memory_space<vmem>>, vector<1x16xf32>,
    %swap3A_78 = vector.shape_cast %swap3A_77 : vector<1x16xf32> to vector<16xf32>
    %swap3A_79 = vector.shape_cast %scan3A_19#9 : vector<16xf32> to vector<1x16xf32>
    tpu.vector_store %arg9[%swap3A_75, %swap3A_76], %swap3A_79 {strides = array<i32>} : memref<16x16xf32, #tpu.memory_space<vmem>>, vector<1x16xf32>,
    %swap3A_80 = arith.constant 10 : i32
    %swap3A_81 = arith.index_cast %swap3A_80 : i32 to index
    %swap3A_82 = arith.constant 0 : index
    %swap3A_83 = tpu.vector_load %arg9[%swap3A_81, %swap3A_82] {strides = array<i32>} : memref<16x16xf32, #tpu.memory_space<vmem>>, vector<1x16xf32>,
    %swap3A_84 = vector.shape_cast %swap3A_83 : vector<1x16xf32> to vector<16xf32>
    %swap3A_85 = vector.shape_cast %scan3A_19#10 : vector<16xf32> to vector<1x16xf32>
    tpu.vector_store %arg9[%swap3A_81, %swap3A_82], %swap3A_85 {strides = array<i32>} : memref<16x16xf32, #tpu.memory_space<vmem>>, vector<1x16xf32>,
    %swap3A_86 = arith.constant 11 : i32
    %swap3A_87 = arith.index_cast %swap3A_86 : i32 to index
    %swap3A_88 = arith.constant 0 : index
    %swap3A_89 = tpu.vector_load %arg9[%swap3A_87, %swap3A_88] {strides = array<i32>} : memref<16x16xf32, #tpu.memory_space<vmem>>, vector<1x16xf32>,
    %swap3A_90 = vector.shape_cast %swap3A_89 : vector<1x16xf32> to vector<16xf32>
    %swap3A_91 = vector.shape_cast %scan3A_19#11 : vector<16xf32> to vector<1x16xf32>
    tpu.vector_store %arg9[%swap3A_87, %swap3A_88], %swap3A_91 {strides = array<i32>} : memref<16x16xf32, #tpu.memory_space<vmem>>, vector<1x16xf32>,
    %swap3A_92 = arith.constant 12 : i32
    %swap3A_93 = arith.index_cast %swap3A_92 : i32 to index
    %swap3A_94 = arith.constant 0 : index
    %swap3A_95 = tpu.vector_load %arg9[%swap3A_93, %swap3A_94] {strides = array<i32>} : memref<16x16xf32, #tpu.memory_space<vmem>>, vector<1x16xf32>,
    %swap3A_96 = vector.shape_cast %swap3A_95 : vector<1x16xf32> to vector<16xf32>
    %swap3A_97 = vector.shape_cast %scan3A_19#12 : vector<16xf32> to vector<1x16xf32>
    tpu.vector_store %arg9[%swap3A_93, %swap3A_94], %swap3A_97 {strides = array<i32>} : memref<16x16xf32, #tpu.memory_space<vmem>>, vector<1x16xf32>,
    %swap3A_98 = arith.constant 13 : i32
    %swap3A_99 = arith.index_cast %swap3A_98 : i32 to index
    %swap3A_100 = arith.constant 0 : index
    %swap3A_101 = tpu.vector_load %arg9[%swap3A_99, %swap3A_100] {strides = array<i32>} : memref<16x16xf32, #tpu.memory_space<vmem>>, vector<1x16xf32>,
    %swap3A_102 = vector.shape_cast %swap3A_101 : vector<1x16xf32> to vector<16xf32>
    %swap3A_103 = vector.shape_cast %scan3A_19#13 : vector<16xf32> to vector<1x16xf32>
    tpu.vector_store %arg9[%swap3A_99, %swap3A_100], %swap3A_103 {strides = array<i32>} : memref<16x16xf32, #tpu.memory_space<vmem>>, vector<1x16xf32>,
    %swap3A_104 = arith.constant 14 : i32
    %swap3A_105 = arith.index_cast %swap3A_104 : i32 to index
    %swap3A_106 = arith.constant 0 : index
    %swap3A_107 = tpu.vector_load %arg9[%swap3A_105, %swap3A_106] {strides = array<i32>} : memref<16x16xf32, #tpu.memory_space<vmem>>, vector<1x16xf32>,
    %swap3A_108 = vector.shape_cast %swap3A_107 : vector<1x16xf32> to vector<16xf32>
    %swap3A_109 = vector.shape_cast %scan3A_19#14 : vector<16xf32> to vector<1x16xf32>
    tpu.vector_store %arg9[%swap3A_105, %swap3A_106], %swap3A_109 {strides = array<i32>} : memref<16x16xf32, #tpu.memory_space<vmem>>, vector<1x16xf32>,
    %swap3A_110 = arith.constant 15 : i32
    %swap3A_111 = arith.index_cast %swap3A_110 : i32 to index
    %swap3A_112 = arith.constant 0 : index
    %swap3A_113 = tpu.vector_load %arg9[%swap3A_111, %swap3A_112] {strides = array<i32>} : memref<16x16xf32, #tpu.memory_space<vmem>>, vector<1x16xf32>,
    %swap3A_114 = vector.shape_cast %swap3A_113 : vector<1x16xf32> to vector<16xf32>
    %swap3A_115 = vector.shape_cast %scan3A_19#15 : vector<16xf32> to vector<1x16xf32>
    tpu.vector_store %arg9[%swap3A_111, %swap3A_112], %swap3A_115 {strides = array<i32>} : memref<16x16xf32, #tpu.memory_space<vmem>>, vector<1x16xf32>,
    "tpu.region"() ({
      %run_scoped3A = tpu.sem_alloc : memref<!tpu.dma_semaphore, #tpu.memory_space<semaphore_mem>>
      %dma_start3A_116 = arith.constant 0 : i32
      %dma_start3A_117 = arith.constant 0 : i32
      %dma_start3A_118 = tpu.memref_slice %arg3[%add3A, %dma_start3A_116, %dma_start3A_117] : memref<32x2x1024xf32, #tpu.memory_space<hbm>> -> memref<1x2x1024xf32, #tpu.memory_space<hbm>>
      %dma_start3A_119 = tpu.memref_squeeze %dma_start3A_118 : memref<1x2x1024xf32, #tpu.memory_space<hbm>> -> memref<2x1024xf32, #tpu.memory_space<hbm>>
      %dma_start3A_120 = arith.constant 0 : i32
      %dma_start3A_121 = arith.constant 0 : i32
      %dma_start3A_122 = tpu.memref_slice %arg3[%add3A, %dma_start3A_120, %dma_start3A_121] : memref<32x2x1024xf32, #tpu.memory_space<hbm>> -> memref<1x2x1024xf32, #tpu.memory_space<hbm>>
      %dma_start3A_123 = tpu.memref_squeeze %dma_start3A_122 : memref<1x2x1024xf32, #tpu.memory_space<hbm>> -> memref<2x1024xf32, #tpu.memory_space<hbm>>
      tpu.enqueue_dma source(%arg7 : memref<2x1024xf32, #tpu.memory_space<vmem>>) target(%dma_start3A_123 : memref<2x1024xf32, #tpu.memory_space<hbm>>) target_semaphore(%run_scoped3A : memref<!tpu.dma_semaphore, #tpu.memory_space<semaphore_mem>>)
      %dma_wait3A_124 = arith.constant 0 : i32
      %dma_wait3A_125 = arith.constant 0 : i32
      %dma_wait3A_126 = tpu.memref_slice %arg3[%add3A, %dma_wait3A_124, %dma_wait3A_125] : memref<32x2x1024xf32, #tpu.memory_space<hbm>> -> memref<1x2x1024xf32, #tpu.memory_space<hbm>>
      %dma_wait3A_127 = tpu.memref_squeeze %dma_wait3A_126 : memref<1x2x1024xf32, #tpu.memory_space<hbm>> -> memref<2x1024xf32, #tpu.memory_space<hbm>>
      %dma_wait3A_128 = arith.constant 0 : i32
      %dma_wait3A_129 = arith.constant 0 : i32
      %dma_wait3A_130 = tpu.memref_slice %arg3[%add3A, %dma_wait3A_128, %dma_wait3A_129] : memref<32x2x1024xf32, #tpu.memory_space<hbm>> -> memref<1x2x1024xf32, #tpu.memory_space<hbm>>
      %dma_wait3A_131 = tpu.memref_squeeze %dma_wait3A_130 : memref<1x2x1024xf32, #tpu.memory_space<hbm>> -> memref<2x1024xf32, #tpu.memory_space<hbm>>
      tpu.wait_dma2 semaphore(%run_scoped3A : memref<!tpu.dma_semaphore, #tpu.memory_space<semaphore_mem>>) src(%arg7 : memref<2x1024xf32, #tpu.memory_space<vmem>>) dst(%dma_wait3A_131 : memref<2x1024xf32, #tpu.memory_space<hbm>>)
      tpu.yield
    }) : () -> ()
    "tpu.region"() ({
      %run_scoped3A = tpu.sem_alloc : memref<!tpu.dma_semaphore, #tpu.memory_space<semaphore_mem>>
      %dma_start3A_116 = arith.constant 0 : i32
      %dma_start3A_117 = arith.constant 0 : i32
      %dma_start3A_118 = tpu.memref_slice %arg4[%add3A, %dma_start3A_116, %dma_start3A_117] : memref<32x2x1024xi32, #tpu.memory_space<hbm>> -> memref<1x2x1024xi32, #tpu.memory_space<hbm>>
      %dma_start3A_119 = tpu.memref_squeeze %dma_start3A_118 : memref<1x2x1024xi32, #tpu.memory_space<hbm>> -> memref<2x1024xi32, #tpu.memory_space<hbm>>
      %dma_start3A_120 = arith.constant 0 : i32
      %dma_start3A_121 = arith.constant 0 : i32
      %dma_start3A_122 = tpu.memref_slice %arg4[%add3A, %dma_start3A_120, %dma_start3A_121] : memref<32x2x1024xi32, #tpu.memory_space<hbm>> -> memref<1x2x1024xi32, #tpu.memory_space<hbm>>
      %dma_start3A_123 = tpu.memref_squeeze %dma_start3A_122 : memref<1x2x1024xi32, #tpu.memory_space<hbm>> -> memref<2x1024xi32, #tpu.memory_space<hbm>>
      tpu.enqueue_dma source(%arg8 : memref<2x1024xi32, #tpu.memory_space<vmem>>) target(%dma_start3A_123 : memref<2x1024xi32, #tpu.memory_space<hbm>>) target_semaphore(%run_scoped3A : memref<!tpu.dma_semaphore, #tpu.memory_space<semaphore_mem>>)
      %dma_wait3A_124 = arith.constant 0 : i32
      %dma_wait3A_125 = arith.constant 0 : i32
      %dma_wait3A_126 = tpu.memref_slice %arg4[%add3A, %dma_wait3A_124, %dma_wait3A_125] : memref<32x2x1024xi32, #tpu.memory_space<hbm>> -> memref<1x2x1024xi32, #tpu.memory_space<hbm>>
      %dma_wait3A_127 = tpu.memref_squeeze %dma_wait3A_126 : memref<1x2x1024xi32, #tpu.memory_space<hbm>> -> memref<2x1024xi32, #tpu.memory_space<hbm>>
      %dma_wait3A_128 = arith.constant 0 : i32
      %dma_wait3A_129 = arith.constant 0 : i32
      %dma_wait3A_130 = tpu.memref_slice %arg4[%add3A, %dma_wait3A_128, %dma_wait3A_129] : memref<32x2x1024xi32, #tpu.memory_space<hbm>> -> memref<1x2x1024xi32, #tpu.memory_space<hbm>>
      %dma_wait3A_131 = tpu.memref_squeeze %dma_wait3A_130 : memref<1x2x1024xi32, #tpu.memory_space<hbm>> -> memref<2x1024xi32, #tpu.memory_space<hbm>>
      tpu.wait_dma2 semaphore(%run_scoped3A : memref<!tpu.dma_semaphore, #tpu.memory_space<semaphore_mem>>) src(%arg8 : memref<2x1024xi32, #tpu.memory_space<vmem>>) dst(%dma_wait3A_131 : memref<2x1024xi32, #tpu.memory_space<hbm>>)
      tpu.yield
    }) : () -> ()
    "tpu.region"() ({
      %run_scoped3A = tpu.sem_alloc : memref<!tpu.dma_semaphore, #tpu.memory_space<semaphore_mem>>
      %dma_start3A_116 = arith.constant 0 : i32
      %dma_start3A_117 = arith.constant 0 : i32
      %dma_start3A_118 = tpu.memref_slice %arg5[%add3A, %dma_start3A_116, %dma_start3A_117] : memref<32x16x16xf32, #tpu.memory_space<hbm>> -> memref<1x16x16xf32, #tpu.memory_space<hbm>>
      %dma_start3A_119 = tpu.memref_squeeze %dma_start3A_118 : memref<1x16x16xf32, #tpu.memory_space<hbm>> -> memref<16x16xf32, #tpu.memory_space<hbm>>
      %dma_start3A_120 = arith.constant 0 : i32
      %dma_start3A_121 = arith.constant 0 : i32
      %dma_start3A_122 = tpu.memref_slice %arg5[%add3A, %dma_start3A_120, %dma_start3A_121] : memref<32x16x16xf32, #tpu.memory_space<hbm>> -> memref<1x16x16xf32, #tpu.memory_space<hbm>>
      %dma_start3A_123 = tpu.memref_squeeze %dma_start3A_122 : memref<1x16x16xf32, #tpu.memory_space<hbm>> -> memref<16x16xf32, #tpu.memory_space<hbm>>
      tpu.enqueue_dma source(%arg9 : memref<16x16xf32, #tpu.memory_space<vmem>>) target(%dma_start3A_123 : memref<16x16xf32, #tpu.memory_space<hbm>>) target_semaphore(%run_scoped3A : memref<!tpu.dma_semaphore, #tpu.memory_space<semaphore_mem>>)
      %dma_wait3A_124 = arith.constant 0 : i32
      %dma_wait3A_125 = arith.constant 0 : i32
      %dma_wait3A_126 = tpu.memref_slice %arg5[%add3A, %dma_wait3A_124, %dma_wait3A_125] : memref<32x16x16xf32, #tpu.memory_space<hbm>> -> memref<1x16x16xf32, #tpu.memory_space<hbm>>
      %dma_wait3A_127 = tpu.memref_squeeze %dma_wait3A_126 : memref<1x16x16xf32, #tpu.memory_space<hbm>> -> memref<16x16xf32, #tpu.memory_space<hbm>>
      %dma_wait3A_128 = arith.constant 0 : i32
      %dma_wait3A_129 = arith.constant 0 : i32
      %dma_wait3A_130 = tpu.memref_slice %arg5[%add3A, %dma_wait3A_128, %dma_wait3A_129] : memref<32x16x16xf32, #tpu.memory_space<hbm>> -> memref<1x16x16xf32, #tpu.memory_space<hbm>>
      %dma_wait3A_131 = tpu.memref_squeeze %dma_wait3A_130 : memref<1x16x16xf32, #tpu.memory_space<hbm>> -> memref<16x16xf32, #tpu.memory_space<hbm>>
      tpu.wait_dma2 semaphore(%run_scoped3A : memref<!tpu.dma_semaphore, #tpu.memory_space<semaphore_mem>>) src(%arg9 : memref<16x16xf32, #tpu.memory_space<vmem>>) dst(%dma_wait3A_131 : memref<16x16xf32, #tpu.memory_space<hbm>>)
      tpu.yield
    }) : () -> ()
    return
  }
}

module attributes {stable_mosaic.version = 14 : i64} {
  func.func @_logits_body(%arg0: i32, %arg1: memref<2048x1024xf32, #tpu.memory_space<vmem>>, %arg2: memref<8x1024xf32, #tpu.memory_space<vmem>>, %arg3: memref<2x8x1024xf32, #tpu.memory_space<vmem>>) attributes {dimension_semantics = [#tpu.dimension_semantics<arbitrary>], iteration_bounds = array<i64: 16>, scalar_prefetch = 0 : i64, scratch_operands = 0 : i64, tpu.core_type = #tpu.core_type<tc>, window_params = [{transform_indices = @transform_0, window_bounds = array<i64: 2048, 1024>}, {pipeline_mode = #tpu.pipeline_mode<synchronous>, transform_indices = @transform_1, window_bounds = array<i64: 8, 1024>}, {transform_indices = @transform_2, window_bounds = array<i64: 2, 8, 1024>}]} {
    %get3A = arith.constant 0 : index
    %get3A_0 = arith.constant 0 : index
    %get3A_1 = vector.load %arg2[%get3A, %get3A_0] : memref<8x1024xf32, #tpu.memory_space<vmem>>, vector<8x1024xf32>
    %get3A_2 = arith.constant 0 : index
    %get3A_3 = arith.constant 0 : index
    %get3A_4 = vector.load %arg1[%get3A_2, %get3A_3] : memref<2048x1024xf32, #tpu.memory_space<vmem>>, vector<2048x1024xf32>
    %dot_general3A = arith.constant dense<0.000000e+00> : vector<8x2048xf32>
    %dot_general3A_5 = tpu.matmul %get3A_1, %get3A_4, %dot_general3A {dimension_numbers = #tpu.dot_dimension_numbers<[1], [1], [0], [0], [0, 0, 1, 0], [], []>, transpose_lhs_hint = false} : vector<8x1024xf32>, vector<2048x1024xf32>, vector<8x2048xf32> -> vector<8x2048xf32>
    %slice3A = vector.extract_strided_slice %dot_general3A_5 {offsets = [0, 0], sizes = [8, 1024], strides = [1, 1]} : vector<8x2048xf32> to vector<8x1024xf32>
    %slice3A_6 = vector.extract_strided_slice %dot_general3A_5 {offsets = [0, 1024], sizes = [8, 1024], strides = [1, 1]} : vector<8x2048xf32> to vector<8x1024xf32>
    %stack3A = vector.shape_cast %slice3A : vector<8x1024xf32> to vector<1x8x1024xf32>
    %stack3A_7 = vector.shape_cast %slice3A_6 : vector<8x1024xf32> to vector<1x8x1024xf32>
    %stack3A_8 = tpu.concatenate %stack3A, %stack3A_7 in 0 : vector<1x8x1024xf32>, vector<1x8x1024xf32> -> vector<2x8x1024xf32>
    %swap3A = arith.constant 0 : index
    %swap3A_9 = arith.constant 0 : index
    %swap3A_10 = arith.constant 0 : index
    %swap3A_11 = vector.load %arg3[%swap3A, %swap3A_9, %swap3A_10] : memref<2x8x1024xf32, #tpu.memory_space<vmem>>, vector<2x8x1024xf32>
    tpu.vector_store %arg3[%swap3A, %swap3A_9, %swap3A_10], %stack3A_8 {strides = array<i32>} : memref<2x8x1024xf32, #tpu.memory_space<vmem>>, vector<2x8x1024xf32>,
    return
  }
  func.func @transform_0(%arg0: i32) -> (i32, i32) {
    %c0_i32 = arith.constant 0 : i32
    %c0_i32_0 = arith.constant 0 : i32
    return %arg0, %c0_i32 : i32, i32
  }
  func.func @transform_1(%arg0: i32) -> (i32, i32) {
    %c0_i32 = arith.constant 0 : i32
    %c0_i32_0 = arith.constant 0 : i32
    %c0_i32_1 = arith.constant 0 : i32
    return %c0_i32, %c0_i32_0 : i32, i32
  }
  func.func @transform_2(%arg0: i32) -> (i32, i32, i32) {
    %c0_i32 = arith.constant 0 : i32
    %c0_i32_0 = arith.constant 0 : i32
    %c0_i32_1 = arith.constant 0 : i32
    return %arg0, %c0_i32, %c0_i32_0 : i32, i32, i32
  }
}

</mosaic_0001>

<sc_bundles>
// kernel: _moe_router.4.cloned.1.call-start
scs
__scs_entry_jumppad:
0x0: {  	(pc) =	sbr.rel $0x88, $3  }
0x1: {  	(tag) =	ssettag $0x0;
	lr =	simm.s32 $0x1  }
0x2: {  	[smem:$0x3F9F] =	sst lr;
	_ =	strace $0xD0000000  }
0x3: {  	_ = 	snop  }
0x4: {  	_ = 	snop  }
0x5: {  	_ = 	snop  }
0x6: {  	_ = 	snop  }
0x7: {  	_ = 	snop  }
__scs_overlays_trampoline_lowered:
0x8: {  	[smem:$0x3FAE] =	sst s0  }
0x9: {  	[smem:$0x3FAF] =	sst s1  }
0xa: {  	[smem:$0x3FB0] =	sst s2  }
0xb: {  	[smem:$0x3FB1] =	sst s3  }
0xc: {  	[smem:$0x3FB2] =	sst s4  }
0xd: {  	[smem:$0x3FB3] =	sst s5  }
0xe: {  	[smem:$0x3FB4] =	sst s6  }
0xf: {  	[smem:$0x3FB5] =	sst s7  }
0x10: {  	[smem:$0x3FB6] =	sst s8  }
0x11: {  	[smem:$0x3FB7] =	sst s9;
	s0 =	simm.s32 @!p0 $0x0  }
0x12: {  	s1 =	sld [smem:$0x3F9D];
	s0 =	simm.s32 @p0 $0x1  }
0x13: {  	[smem:$0x3FB8] =	sst s0;
	s0 =	simm.s32 @!p1 $0x0  }
0x14: {  	s2 =	sld [smem:$0x3F9C];
	s0 =	simm.s32 @p1 $0x1  }
0x15: {  	[smem:$0x3FB9] =	sst s0;
	s0 =	simm.s32 @!p2 $0x0  }
0x16: {  	s3 =	sld [smem:$0x3FDB];
	s0 =	simm.s32 @p2 $0x1  }
0x17: {  	s4 =	simm.s32 $0x1BF5;
	[smem:$0x3FBB] =	sst s0  }
0x18: {  	s0 =	sld [smem:$0x3F9E];
	_ =	swait.ge [sflag:s4], $0x0  }
0x19: {  	s7 =	sld [smem:$0x3F9F]  }
0x1a: {  	s8 =	sadd.s32 $0xFFFFE003, lr  }
0x1b: {  	s9 =	sadd.s32 $0xFFFFFEF7, lr;
	s5 =	simm.s32 $0xFFFFFFFF;
	p2 =	slt.u32 s8, $0xFFFFF086  }
0x1c: {  	p1 =	slt.u32 s9, $0xF7A;
	s5 =	simm.s32 @!p2 $0x0  }
0x1d: {  	s5 =	simm.s32 @p1 $0x1;
	p0 =	seq.s32 s7, s2  }
0x1e: {  	s7 =	smul.u32 @!p0 $0xF7A, s2;
	p2 =	seq.s32 @!p0 s5, $0x0  }
0x1f: {  	s9 =	smul.u32 $0xF7A, s1;
	s8 =	simm.s32 @!p0 $0x1BF5;
	p2 =	por !p2, p0  }
0x20: {  	[sflag:s8] =	ssyncset.s32 @!p0 $0xFFFFF086;
	s6 =	sadd.s32 @!p0 s3, s7;
	s7 =	simm.s32 @!p0 $0x108  }
0x21: {  	s3 =	sadd.s32 s3, s9;
	s6 =	sadd.s32 @!p0 $0x88, s6;
	s7 =	simm.s32 @p2 $0x1082  }
0x22: {  	[simem:s7], [sflag:s8] =	dma.local @!p0 [hbm:s6], $0xF7A  }
0x23: {  	s9 =	sor.u32 $0xD0000000, s2;
	s6 =	simm.s32 $0x108;
	_ =	swait.ge @!p0 [sflag:s8], $0x0  }
0x24: {  	s3 =	sadd.s32 $0x88, s3;
	s6 =	simm.s32 @!p1 $0x1082;
	[sflag:s4] =	ssyncset.s32 $0xFFFFF086  }
0x25: {  	[simem:s6], [sflag:s4] =	dma.local [hbm:s3], $0xF7A  }
0x26: {  	[smem:$0x3F9F] =	sst s1;
	(tag) =	ssettag s2;
	_ =	strace s9  }
0x27: {  	s1 =	sld [smem:$0x3FAF]  }
0x28: {  	s2 =	sld [smem:$0x3FB0]  }
0x29: {  	s4 =	sld [smem:$0x3FB2]  }
0x2a: {  	p0 =	seq.s32 s5, $0x0;
	s5 =	sld [smem:$0x3FB3]  }
0x2b: {  	s6 =	sld [smem:$0x3FB4]  }
0x2c: {  	s7 =	sld [smem:$0x3FB5]  }
0x2d: {  	s3 =	simm.s32 $0x108;
	s8 =	sld [smem:$0x3FB6]  }
0x2e: {  	s3 =	simm.s32 @!p0 $0x1082;
	s9 =	sld [smem:$0x3FB7]  }
0x2f: {  	lr =	sadd.s32 s0, s3;
	s0 =	sld [smem:$0x3FAE]  }
0x30: {  	s3 =	sld [smem:$0x3FB1]  }
0x31: {  	[smem:$0x3FBA] =	sst s10  }
0x32: {  	s10 =	sld [smem:$0x3FB8];
	_ =	sdelay $0x3  }
0x33: {  	p0 =	seq.s32 s10, $0x1;
	s10 =	sld [smem:$0x3FBA];
	_ =	sdelay $0x3  }
0x34: {  	[smem:$0x3FBA] =	sst s10  }
0x35: {  	s10 =	sld [smem:$0x3FB9];
	_ =	sdelay $0x3  }
0x36: {  	p1 =	seq.s32 s10, $0x1;
	s10 =	sld [smem:$0x3FBA];
	_ =	sdelay $0x3  }
0x37: {  	[smem:$0x3FBA] =	sst s10  }
0x38: {  	s10 =	sld [smem:$0x3FBB]  }
0x39: {  	_ = 	snop;
	(pc) =	sbr.ind lr, $3  }
0x3a: {  	_ = 	snop  }
0x3b: {  	_ = 	snop  }
0x3c: {  	p2 =	seq.s32 s10, $0x1;
	s10 =	sld [smem:$0x3FBA]  }
0x3d: {  	_ =	shalt  }
0x3e: {  	_ =	shalt  }
0x3f: {  	_ =	shalt  }
0x40: {  	_ =	shalt  }
0x41: {  	_ =	shalt  }
0x42: {  	_ =	shalt  }
0x43: {  	_ =	shalt  }
0x44: {  	_ =	shalt  }
0x45: {  	_ =	shalt  }
0x46: {  	_ =	shalt  }
0x47: {  	_ =	shalt  }
0x48: {  	_ =	shalt  }
0x49: {  	_ =	shalt  }
0x4a: {  	_ =	shalt  }
0x4b: {  	_ =	shalt  }
0x4c: {  	_ =	shalt  }
0x4d: {  	_ =	shalt  }
0x4e: {  	_ =	shalt  }
0x4f: {  	_ =	shalt  }
0x50: {  	_ =	shalt  }
0x51: {  	_ =	shalt  }
0x52: {  	_ =	shalt  }
0x53: {  	_ =	shalt  }
0x54: {  	_ =	shalt  }
0x55: {  	_ =	shalt  }
0x56: {  	_ =	shalt  }
0x57: {  	_ =	shalt  }
0x58: {  	_ =	shalt  }
0x59: {  	_ =	shalt  }
0x5a: {  	_ =	shalt  }
0x5b: {  	_ =	shalt  }
0x5c: {  	_ =	shalt  }
0x5d: {  	_ =	shalt  }
0x5e: {  	_ =	shalt  }
0x5f: {  	_ =	shalt  }
0x60: {  	_ =	shalt  }
0x61: {  	_ =	shalt  }
0x62: {  	_ =	shalt  }
0x63: {  	_ =	shalt  }
0x64: {  	_ =	shalt  }
0x65: {  	_ =	shalt  }
0x66: {  	_ =	shalt  }
0x67: {  	_ =	shalt  }
0x68: {  	_ =	shalt  }
0x69: {  	_ =	shalt  }
0x6a: {  	_ =	shalt  }
0x6b: {  	_ =	shalt  }
0x6c: {  	_ =	shalt  }
0x6d: {  	_ =	shalt  }
0x6e: {  	_ =	shalt  }
0x6f: {  	_ =	shalt  }
0x70: {  	_ =	shalt  }
0x71: {  	_ =	shalt  }
0x72: {  	_ =	shalt  }
0x73: {  	_ =	shalt  }
0x74: {  	_ =	shalt  }
0x75: {  	_ =	shalt  }
0x76: {  	_ =	shalt  }
0x77: {  	_ =	shalt  }
0x78: {  	_ =	shalt  }
0x79: {  	_ =	shalt  }
0x7a: {  	_ =	shalt  }
0x7b: {  	_ =	shalt  }
0x7c: {  	_ =	shalt  }
0x7d: {  	_ =	shalt  }
0x7e: {  	_ =	shalt  }
0x7f: {  	_ =	shalt  }
0x80: {  	_ =	shalt  }
0x81: {  	_ =	shalt  }
0x82: {  	_ =	shalt  }
0x83: {  	_ =	shalt  }
0x84: {  	_ =	shalt  }
0x85: {  	_ =	shalt  }
0x86: {  	_ =	shalt  }
0x87: {  	_ =	shalt  }
.Lfunc_end0:
.L_simem_size_0:
called_computation_lowered:
.L_overlay_start_0:
0x88: {  	s2 =	sld [smem:$0x3FD9]  }
0x89: {  	s3 =	sld [smem:$0x3FFE];
	_ =	sdelay $0x1  }
0x8a: {  	s1 =	srdreg.scid  }
0x8b: {  	s0 =	sand.u32 $0x1, s1  }
0x8c: {  	s14 =	sshll.u32 s0, $0xA;
	s2 =	sadd.s32 s3, s2  }
0x8d: {  	s2 =	sadd.s32 s2, s14  }
0x8e: {  	[smem:$0x3FC6] =	sst s2  }
0x8f: {  	_ = 	snop  }
0x90: {  	s2 =	sld [smem:$0x3FD0];
	_ =	sdelay $0x2  }
0x91: {  	s15 =	simm.s32 $0xA;
	s4 =	simm.s32 $0x10  }
0x92: {  	[smem:s4], [sflag:s15] =	dma.local [hbm:s2], $0x1  }
0x93: {  	_ =	swait.eq [sflag:s15], $0x1  }
0x94: {  	[sflag:s15] =	ssyncset.done $0x0  }
0x95: {  	s16 =	sld [smem:$0x10];
	[sflag:s15] =	ssyncadd.s32 $0xFFFFFFFF  }
0x96: {  	s17 =	sld [smem:$0x11];
	(tm) =	ssettm $0x1  }
0x97: {  	s18 =	sld [smem:$0x3FFB];
	_ =	sdelay $0x3  }
0x98: {  	_ =	strace s18  }
0x99: {  	s4 =	sld [smem:$0x3FFC];
	_ =	sdelay $0x3  }
0x9a: {  	_ =	strace s4  }
0x9b: {  	s4 =	sld [smem:$0x3FFD];
	_ =	sdelay $0x3  }
0x9c: {  	_ =	strace s4  }
0x9d: {  	_ =	strace $0x8FFFFFFF  }
0x9e: {  	s19 =	sld [smem:$0x3FDB];
	_ =	sdelay $0x1  }
0x9f: {  	s5 =	simm.s32 $_scs_section_size  }
0xa0: {  	s6 =	simm.s32 $_size__tile_overlayer_lowered;
	s7 =	simm.s32 $_tile_overlayer_lowered  }
0xa1: {  	s22 =	simm.s32 $0x1BFF;
	s21 =	sshll.u32 s7, $0x1;
	s4 =	sadd.s32 s5, s19  }
0xa2: {  	s8 =	simm.s32 $0x0;
	s20 =	sshll.u32 s6, $0x1;
	s6 =	sadd.s32 s21, s4  }
0xa3: {  	[timem:s8], [sflag:s22] =	dma.local [hbm:s6], s20  }
0xa4: {  	_ =	swait.ge [sflag:s22], s20  }
0xa5: {  	s5 =	ssub.s32 $0x0, s20;
	[sflag:s22] =	ssyncset.done $0x0  }
0xa6: {  	[sflag:s22] =	ssyncadd.s32 s5;
	_ =	sdelay $0x1  }
0xa7: {  	s23 =	simm.s32 $0x1B8B  }
0xa8: {  	_ =	swait.ge [sflag:s23], $0x1  }
0xa9: {  	[sflag:s23] =	ssyncset.done $0x0  }
0xaa: {  	s25 =	simm.s32 $0x1B8E;
	s24 =	sld [smem:$0x3FFE];
	[sflag:s23] =	ssyncadd.s32 $0xFFFFFFFF  }
0xab: {  	s26 =	simm.s32 $execute0_lowered;
	[smem:$0x3FD2] =	sst s25  }
0xac: {  	s6 =	sshll.u32 s26, $0x1;
	_ =	strace $0x80000046;
	[dreg:$0x1] =	wrdreg $0xFFFFFFFF  }
0xad: {  	s28 =	simm.s32 $_size_execute0_lowered;
	s4 =	sadd.s32 s4, s6;
	[dreg:$0x0] =	wrdreg $0x0  }
0xae: {  	s6 =	sshll.u32 s28, $0x1;
	[dreg:$0x2] =	wrdreg s4  }
0xaf: {  	[dreg:$0x3] =	wrdreg s6  }
0xb0: {  	[dreg:$0x4] =	wrdreg $0xC0  }
0xb1: {  	_ =	task [dreg:s8], $0x5FFFF  }
0xb2: {  	[dreg:$0x1] =	wrdreg $0xFFFFFFFF  }
0xb3: {  	[dreg:$0x0] =	wrdreg $0x60  }
0xb4: {  	[dreg:$0x2] =	wrdreg s24  }
0xb5: {  	[dreg:$0x3] =	wrdreg s16  }
0xb6: {  	[dreg:$0x4] =	wrdreg s17  }
0xb7: {  	[dreg:$0x5] =	wrdreg $0x9  }
0xb8: {  	_ =	task.clear_ibuf [dreg:s8], $0x6FFFF;
	_ =	strace $0x90000046  }
0xb9: {  	s29 =	simm.s32 $0x9;
	_ =	strace $0x80000048  }
0xba: {  	_ =	swait.ge [sflag:s29], $0x1  }
0xbb: {  	[sflag:s29] =	ssyncadd.s32 $0xFFFFFFFF  }
0xbc: {  	_ =	strace $0x90000048  }
0xbd: {  	_ =	sfence  }
0xbe: {  	s30 =	sld [smem:$0x0];
	_ =	sdelay $0x2  }
0xbf: {  	s31 =	sshll.u32 s1, $0xD;
	s1 =	sshrl.u32 s1, $0x2  }
0xc0: {  	s3 =	sand.u32 $0x4000, s31;
	s1 =	sadd.s32 s1, s30  }
0xc1: {  	s0 =	sor.u32 s3, s0;
	s1 =	sshll.u32 s1, $0x11  }
0xc2: {  	s0 =	sor.u32 s1, s0  }
0xc3: {  	s0 =	sadd.s32 $0x8F2B, s0  }
0xc4: {  	[sflag:s0] =	ssyncadd.remote.s32 $0x1  }
0xc5: {  	_ =	sfence.sel $0xFFFF  }
0xc6: {  	[dreg:$0x0] =	wrdreg $0xFFFFFFFF;
	(pc) =	sbr.abs _section_cstart, $3  }
0xc7: {  	[dreg:$0x1] =	wrdreg $0xFFFFFFFF  }
0xc8: {  	_ =	task.clear_ibuf [dreg:s8], $0x2FFFF;
	_ =	strace $0x9FFFFFFF  }
0xc9: {  	(tm) =	ssettm $0x7FFFFFFF  }
tec
execute0_lowered:
.L_overlay_start_1:
0x0: {  	(tag) =	ssettag $0x1  }
0x1: {  	s3 =	rddreg [dreg:$0x0]  }
0x2: {  	s4 =	rddreg [dreg:$0x1]  }
0x3: {  	s5 =	rddreg [dreg:$0x2]  }
0x4: {  	s0 =	rddreg [dreg:$0x3];
	s2 =	simm.s32 $0x0;
	s6 =	srdreg.scid  }
0x5: {  	s1 =	stileid.u32;
	s11 =	simm.s32 $0x2800;
	s12 =	simm.s32 $0x3000  }
0x6: {  	[smem:$0x7FF] =	sst s2;
	s6 =	sand.u32 $0x1, s6;
	s7 =	sshll.u32 s1, $0x1  }
0x7: {  	s13 =	simm.s32 $0x0;
	_ =	strace $0x80000047;
	s7 =	sor.u32 s6, s7  }
0x8: {  	s6 =	ssub.s32 $0x2, s6;
	s8 =	sshll.u32 s7, $0xA;
	s7 =	sshll.u32 s7, $0x8  }
0x9: {  	s31 =	sshrl.u32 s6, $0x1;
	s8 =	sadd.s32 s8, s3;
	s9 =	sadd.s32 s7, s3  }
0xa: {  	s10 =	ssub.s32 s6, s31;
	s4 =	sadd.s32 s4, s7;
	s5 =	sadd.s32 s5, s7  }
0xb: {  	s3 =	sadd.s32 $0x200, s8;
	s6 =	sadd.s32 $0x8200, s9;
	s7 =	smax.u32 s10, $0x1  }
0xc: {  	v0 =	vimm.s32 $0x0;
	v1 =	vimm.f32 $0.0e+00;
	v2 =	vimm.f32 $1.000000000e+00;
	s8 =	simm.s32 $0x1;
	s9 =	simm.s32 $0x2000;
	s10 =	simm.s32 $0x2  }
.LBB2_1:
0xd: {  	[tilespmem:s2], [sflag:$0x1] =	stream.linear.gather [hbm4b:s3+s2], $0x2000, $0x38;
	[tilespmem:$0x3800] =	vst v63  }
0xe: {  	s14 =	simm.s32 $0x0;
	_ =	swait.ge [sflag:s8], $0x2000  }
0xf: {  	s15 =	sand.u32 $0x60, s2;
	s16 =	sand.u32 $0x3FFFFC00, s14;
	[sflag:s8] =	ssyncset.done $0x0  }
0x10: {  	s14 =	sor.u32 s15, s16;
	[sflag:s8] =	ssyncadd.s32 $0xFFFFE000  }
0x11: {  	v3 =	vld [tilespmem:s14+$0x0]  }
0x12: {  	v4 =	vld [tilespmem:s14+$0x80]  }
0x13: {  	v5 =	vld [tilespmem:s14+$0x100]  }
0x14: {  	v6 =	vld [tilespmem:s14+$0x180]  }
0x15: {  	v7 =	vld [tilespmem:s14+$0x200]  }
0x16: {  	v8 =	vld [tilespmem:s14+$0x280]  }
0x17: {  	v9 =	vld [tilespmem:s14+$0x300];
	v10 =	vmax.f32 v3, v4  }
0x18: {  	v11 =	vld [tilespmem:s14+$0x380];
	v10 =	vmax.f32 v10, v5  }
0x19: {  	v10 =	vmax.f32 v10, v6  }
0x1a: {  	v10 =	vmax.f32 v10, v7  }
0x1b: {  	v10 =	vmax.f32 v10, v8  }
0x1c: {  	v10 =	vmax.f32 v10, v9  }
0x1d: {  	v10 =	vmax.f32 v10, v11  }
0x1e: {  	v3 =	vsub.f32 v3, v10  }
0x1f: {  	v4 =	vsub.f32 v4, v10  }
0x20: {  	v3 =	vmul.f32 $1.442695020e+00, v3  }
0x21: {  	v4 =	vmul.f32 $1.442695020e+00, v4  }
0x22: {  	v5 =	vsub.f32 v5, v10;
	(erf) = vpow2.f32 v3  }
0x23: {  	(erf) = vpow2.f32 v4  }
0x24: {  	v5 =	vmul.f32 $1.442695020e+00, v5;
	v3 =	vsub.f32 v6, v10  }
0x25: {  	v4 =	vsub.f32 v7, v10  }
0x26: {  	v3 =	vmul.f32 $1.442695020e+00, v3;
	(erf) = vpow2.f32 v5;
	v5 =	vsub.f32 v8, v10  }
0x27: {  	v4 =	vmul.f32 $1.442695020e+00, v4  }
0x28: {  	(erf) = vpow2.f32 v3;
	v5 =	vmul.f32 $1.442695020e+00, v5;
	_ =	sdelay $0x1  }
0x29: {  	v3 =	vsub.f32 v9, v10;
	(erf) = vpow2.f32 v4  }
0x2a: {  	v6 =	vpop (erf)  }
0x2b: {  	v4 =	vsub.f32 v11, v10;
	v3 =	vmul.f32 $1.442695020e+00, v3;
	(erf) = vpow2.f32 v5;
	v5 =	vpop (erf)  }
0x2c: {  	v7 =	vadd.f32 v5, v6  }
0x2d: {  	v4 =	vmul.f32 $1.442695020e+00, v4;
	(erf) = vpow2.f32 v3  }
0x2e: {  	v9 =	vpop (erf)  }
0x2f: {  	(erf) = vpow2.f32 v4;
	v3 =	vadd.f32 v7, v9  }
0x30: {  	v7 =	vpop (erf)  }
0x31: {  	v3 =	vadd.f32 v3, v7  }
0x32: {  	v10 =	vpop (erf)  }
0x33: {  	v3 =	vadd.f32 v3, v10  }
0x34: {  	v11 =	vpop (erf)  }
0x35: {  	v3 =	vadd.f32 v3, v11  }
0x36: {  	v12 =	vpop (erf)  }
0x37: {  	v3 =	vadd.f32 v3, v12  }
0x38: {  	v13 =	vpop (erf)  }
0x39: {  	v3 =	vadd.f32 v3, v13;
	_ =	sdelay $0x1  }
0x3a: {  	(erf) = vrcp.f32 v3;
	_ =	sdelay $0x8  }
0x3b: {  	v14 =	vpop (erf)  }
0x3c: {  	v8 =	vmul.f32 v14, v6;
	v3 =	vmul.f32 v14, v5;
	_ =	sdelay $0x1  }
0x3d: {  	v4 =	vmul.f32 v14, v9;
	vm0 =	vgt.f32 v3, v8  }
0x3e: {  	v6 =	vsel vm0, v3, v8  }
0x3f: {  	v5 =	vmul.f32 v14, v7;
	vm1 =	vgt.f32 v4, v6  }
0x40: {  	v6 =	vsel vm1, v4, v6  }
0x41: {  	v10 =	vmul.f32 v14, v10;
	vm2 =	vgt.f32 v5, v6  }
0x42: {  	v7 =	vsel vm2, v5, v6  }
0x43: {  	v6 =	vmul.f32 v14, v11;
	vm3 =	vgt.f32 v10, v7  }
0x44: {  	v9 =	vsel vm3, v10, v7  }
0x45: {  	v11 =	vsel vm0, $0x1, v0;
	v7 =	vmul.f32 v14, v12;
	vm4 =	vgt.f32 v6, v9  }
0x46: {  	v11 =	vsel vm1, $0x2, v11;
	v12 =	vsel vm4, v6, v9  }
0x47: {  	v11 =	vsel vm2, $0x3, v11;
	v9 =	vmul.f32 v14, v13;
	vm0 =	vgt.f32 v7, v12  }
0x48: {  	v11 =	vsel vm3, $0x4, v11;
	v12 =	vsel vm0, v7, v12  }
0x49: {  	v11 =	vsel vm4, $0x5, v11;
	vm7 =	vgt.f32 v9, v12  }
0x4a: {  	v11 =	vsel vm0, $0x6, v11;
	vm3 =	vmneg vm7  }
0x4b: {  	v11 =	vnsel vm3, $0x7, v11  }
0x4c: {  	vm8 =	vgt.f32 v8, $-1.000000000e+00;
	vm9 =	vne.s32 v11, $0x0  }
0x4d: {  	vm1 =	vmand vm8, vm9  }
0x4e: {  	v13 =	vnsel vm1, $0xBF800000, v8  }
0x4f: {  	vm10 =	vne.s32 v11, $0x1;
	vm1 =	vgt.f32 v3, v13  }
0x50: {  	vm4 =	vmand vm10, vm1  }
0x51: {  	v13 =	vsel vm4, v3, v13  }
0x52: {  	vm12 =	vne.s32 v11, $0x2;
	vm11 =	vgt.f32 v4, v13  }
0x53: {  	vm5 =	vmand vm12, vm11  }
0x54: {  	v13 =	vsel vm5, v4, v13  }
0x55: {  	vm14 =	vne.s32 v11, $0x3;
	vm13 =	vgt.f32 v5, v13  }
0x56: {  	vm6 =	vmand vm14, vm13  }
0x57: {  	v13 =	vsel vm6, v5, v13  }
0x58: {  	vm7 =	vne.s32 v11, $0x4;
	vm15 =	vgt.f32 v10, v13  }
0x59: {  	vm7 =	vmand vm7, vm15  }
0x5a: {  	v13 =	vsel vm7, v10, v13  }
0x5b: {  	vm9 =	vne.s32 v11, $0x5;
	vm8 =	vgt.f32 v6, v13  }
0x5c: {  	vm8 =	vmand vm9, vm8  }
0x5d: {  	v13 =	vsel vm8, v6, v13  }
0x5e: {  	vm10 =	vgt.f32 v7, v13  }
0x5f: {  	vm0 =	vmand vm0, vm3;
	vm1 =	vmneg vm10  }
0x60: {  	vm2 =	vmor vm0, vm1  }
0x61: {  	v13 =	vsel vm2, v13, v7  }
0x62: {  	vm11 =	vgt.f32 v9, v13  }
0x63: {  	vm1 =	vmand vm3, vm11  }
0x64: {  	v12 =	vsel vm3, v12, v9;
	v13 =	vsel vm1, v9, v13  }
0x65: {  	v14 =	vadd.f32 v13, v12;
	_ =	sdelay $0x1  }
0x66: {  	(erf) = vrcp.f32 v14;
	_ =	sdelay $0x3  }
0x67: {  	v14 =	vsel vm4, $0x1, v0  }
0x68: {  	v14 =	vsel vm5, $0x2, v14  }
0x69: {  	v14 =	vsel vm6, $0x3, v14  }
0x6a: {  	s31 =	simm.s32 $0x0;
	v14 =	vsel vm7, $0x4, v14  }
0x6b: {  	s14 =	sand.u32 $0xFFFFFF00, s31;
	v14 =	vsel vm8, $0x5, v14  }
0x6c: {  	s17 =	sor.u32 s15, s14;
	v14 =	vnsel vm2, $0x6, v14;
	v15 =	vpop (erf)  }
0x6d: {  	[tilespmem:s17+$0x2800] =	vst v11;
	v14 =	vsel vm1, $0x7, v14;
	v12 =	vmul.f32 v15, v12  }
0x6e: {  	[tilespmem:s17+$0x2880] =	vst v14;
	v13 =	vmul.f32 v15, v13  }
0x6f: {  	s15 =	sor.u32 $0x10, s15;
	[tilespmem:s17+$0x2000] =	vst v12  }
0x70: {  	s16 =	sor.u32 s15, s16;
	[tilespmem:s17+$0x2080] =	vst v13  }
0x71: {  	v12 =	vld [tilespmem:s16+$0x0]  }
0x72: {  	v13 =	vld [tilespmem:s16+$0x80]  }
0x73: {  	v15 =	vld [tilespmem:s16+$0x100]  }
0x74: {  	v16 =	vld [tilespmem:s16+$0x180]  }
0x75: {  	v17 =	vld [tilespmem:s16+$0x200]  }
0x76: {  	v18 =	vld [tilespmem:s16+$0x280]  }
0x77: {  	v19 =	vld [tilespmem:s16+$0x300];
	v20 =	vmax.f32 v12, v13  }
0x78: {  	v21 =	vld [tilespmem:s16+$0x380];
	v20 =	vmax.f32 v20, v15  }
0x79: {  	v20 =	vmax.f32 v20, v16  }
0x7a: {  	v20 =	vmax.f32 v20, v17  }
0x7b: {  	v20 =	vmax.f32 v20, v18  }
0x7c: {  	v20 =	vmax.f32 v20, v19  }
0x7d: {  	v20 =	vmax.f32 v20, v21  }
0x7e: {  	v12 =	vsub.f32 v12, v20  }
0x7f: {  	v13 =	vsub.f32 v13, v20  }
0x80: {  	v16 =	vsub.f32 v16, v20;
	v12 =	vmul.f32 $1.442695020e+00, v12  }
0x81: {  	v15 =	vsub.f32 v15, v20;
	v13 =	vmul.f32 $1.442695020e+00, v13  }
0x82: {  	v16 =	vmul.f32 $1.442695020e+00, v16;
	(erf) = vpow2.f32 v12  }
0x83: {  	v12 =	vmul.f32 $1.442695020e+00, v15;
	(erf) = vpow2.f32 v13  }
0x84: {  	(erf) = vpow2.f32 v16  }
0x85: {  	v13 =	vsub.f32 v17, v20;
	(erf) = vpow2.f32 v12;
	v12 =	vsub.f32 v18, v20;
	_ =	sdelay $0x1  }
0x86: {  	v13 =	vmul.f32 $1.442695020e+00, v13;
	v12 =	vmul.f32 $1.442695020e+00, v12;
	_ =	sdelay $0x1  }
0x87: {  	v15 =	vsub.f32 v19, v20;
	(erf) = vpow2.f32 v13;
	_ =	sdelay $0x1  }
0x88: {  	v15 =	vmul.f32 $1.442695020e+00, v15;
	v13 =	vsub.f32 v21, v20;
	(erf) = vpow2.f32 v12;
	v12 =	vpop (erf)  }
0x89: {  	v16 =	vpop (erf)  }
0x8a: {  	v13 =	vmul.f32 $1.442695020e+00, v13;
	(erf) = vpow2.f32 v15;
	v15 =	vadd.f32 v16, v12;
	v17 =	vpop (erf)  }
0x8b: {  	v18 =	vpop (erf)  }
0x8c: {  	(erf) = vpow2.f32 v13;
	v13 =	vadd.f32 v15, v18;
	_ =	sdelay $0x1  }
0x8d: {  	v13 =	vadd.f32 v13, v17  }
0x8e: {  	v15 =	vpop (erf)  }
0x8f: {  	v13 =	vadd.f32 v13, v15  }
0x90: {  	v19 =	vpop (erf)  }
0x91: {  	v13 =	vadd.f32 v13, v19  }
0x92: {  	v20 =	vpop (erf)  }
0x93: {  	v13 =	vadd.f32 v13, v20  }
0x94: {  	v21 =	vpop (erf)  }
0x95: {  	v13 =	vadd.f32 v13, v21;
	_ =	sdelay $0x1  }
0x96: {  	(erf) = vrcp.f32 v13;
	_ =	sdelay $0x3  }
0x97: {  	v48 =	vadd.f32 v4, v1;
	v49 =	vadd.f32 v5, v1;
	v45 =	vsel vm0, $0x3F800000, v1  }
0x98: {  	v8 =	vadd.f32 v8, v1;
	v3 =	vadd.f32 v3, v1;
	vm12 =	veq.s32 v11, $0x4  }
0x99: {  	v23 =	vsel vm12, $0x3F800000, v1;
	vm13 =	veq.s32 v11, $0x1;
	vm14 =	veq.s32 v11, $0x5  }
0x9a: {  	v22 =	vsel vm13, $0x3F800000, v1;
	vm15 =	veq.s32 v11, $0x0;
	vm9 =	veq.s32 v11, $0x3  }
0x9b: {  	v40 =	vsel vm15, $0x3F800000, v1;
	v10 =	vadd.f32 v10, v1;
	v24 =	vsel vm9, $0x3F800000, v1  }
0x9c: {  	v6 =	vadd.f32 v6, v1;
	v44 =	vsel vm1, $0x3F800000, v1;
	vm4 =	veq.s32 v11, $0x2;
	v27 =	vpop (erf)  }
0x9d: {  	v11 =	vsel vm14, $0x3F800000, v1;
	v12 =	vmul.f32 v27, v12;
	v16 =	vmul.f32 v27, v16  }
0x9e: {  	vm10 =	veq.s32 v14, $0x3;
	vm11 =	veq.s32 v14, $0x4;
	vm12 =	veq.s32 v14, $0x5  }
0x9f: {  	vm13 =	veq.s32 v14, $0x0;
	v18 =	vmul.f32 v27, v18;
	vm14 =	vgt.f32 v16, v12  }
0xa0: {  	vm9 =	veq.s32 v14, $0x1;
	v25 =	vsel vm10, $0x3F800000, v1;
	v41 =	vsel vm14, v16, v12  }
0xa1: {  	v26 =	vsel vm11, $0x3F800000, v1;
	v17 =	vmul.f32 v27, v17;
	vm15 =	vgt.f32 v18, v41  }
0xa2: {  	v39 =	vsel vm12, $0x3F800000, v1;
	v23 =	vadd.f32 v26, v23;
	v26 =	vsel vm15, v18, v41  }
0xa3: {  	v28 =	vsel vm13, $0x3F800000, v1;
	v15 =	vmul.f32 v27, v15;
	vm10 =	vgt.f32 v17, v26  }
0xa4: {  	v42 =	vsel vm9, $0x3F800000, v1;
	vm11 =	veq.s32 v14, $0x2;
	v26 =	vsel vm10, v17, v26  }
0xa5: {  	v14 =	vsel vm4, $0x3F800000, v1;
	v30 =	vmul.f32 v27, v19;
	vm12 =	vgt.f32 v15, v26  }
0xa6: {  	v24 =	vadd.f32 v25, v24;
	v11 =	vadd.f32 v39, v11;
	v19 =	vsel vm12, v15, v26  }
0xa7: {  	v20 =	vmul.f32 v27, v20;
	v43 =	vsel vm14, $0x1, v0;
	vm13 =	vgt.f32 v30, v19  }
0xa8: {  	v25 =	vadd.f32 v28, v40;
	v26 =	vsel vm15, $0x2, v43;
	v19 =	vsel vm13, v30, v19  }
0xa9: {  	v21 =	vmul.f32 v27, v21;
	v26 =	vsel vm10, $0x3, v26;
	vm15 =	vgt.f32 v20, v19  }
0xaa: {  	v29 =	vsel vm11, $0x3F800000, v1;
	v26 =	vsel vm12, $0x4, v26;
	v19 =	vsel vm15, v20, v19  }
0xab: {  	v22 =	vadd.f32 v42, v22;
	v26 =	vsel vm13, $0x5, v26;
	vm5 =	vgt.f32 v21, v19  }
0xac: {  	v13 =	vsel vm3, $0x0, v2;
	v26 =	vsel vm15, $0x6, v26;
	vm0 =	vmneg vm5  }
0xad: {  	v14 =	vadd.f32 v29, v14;
	v13 =	vadd.f32 v44, v13;
	v26 =	vnsel vm0, $0x7, v26  }
0xae: {  	vm6 =	vgt.f32 v12, $-1.000000000e+00;
	v4 =	vadd.f32 v12, v8;
	vm7 =	vne.s32 v26, $0x0  }
0xaf: {  	v3 =	vadd.f32 v16, v3;
	vm14 =	vmor vm1, vm2;
	vm1 =	vmand vm6, vm7  }
0xb0: {  	v5 =	vadd.f32 v18, v48;
	v8 =	vadd.f32 v7, v1;
	v31 =	vnsel vm1, $0xBF800000, v12  }
0xb1: {  	v7 =	vadd.f32 v17, v49;
	vm8 =	vne.s32 v26, $0x1;
	vm9 =	vgt.f32 v16, v31  }
0xb2: {  	v6 =	vadd.f32 v30, v6;
	v46 =	vsel vm14, $0x0, v2;
	vm3 =	vmand vm8, vm9  }
0xb3: {  	v8 =	vadd.f32 v20, v8;
	v47 =	vadd.f32 v46, v45;
	v16 =	vsel vm3, v16, v31  }
0xb4: {  	v19 =	vsel vm0, v19, v21;
	vm10 =	vne.s32 v26, $0x2;
	vm11 =	vgt.f32 v18, v16  }
0xb5: {  	v51 =	vsel vm0, $0x0, v2;
	vm12 =	vne.s32 v26, $0x3;
	vm4 =	vmand vm10, vm11  }
0xb6: {  	vm2 =	veq.s32 v26, $0x4;
	vm5 =	veq.s32 v26, $0x5;
	v16 =	vsel vm4, v18, v16  }
0xb7: {  	vm14 =	vne.s32 v26, $0x4;
	v12 =	vadd.f32 v9, v1;
	vm13 =	vgt.f32 v17, v16  }
0xb8: {  	vm6 =	vmand vm15, vm0;
	v9 =	vadd.f32 v15, v10;
	vm7 =	vmand vm12, vm13  }
0xb9: {  	vm1 =	veq.s32 v26, $0x3;
	v10 =	vadd.f32 v21, v12;
	v12 =	vsel vm7, v17, v16  }
0xba: {  	v55 =	vsel vm5, $0x3F800000, v1;
	v58 =	vsel vm1, $0x3F800000, v1;
	vm9 =	vgt.f32 v15, v12  }
0xbb: {  	v50 =	vsel vm3, $0x1, v0;
	vm10 =	veq.s32 v26, $0x0;
	vm8 =	vmand vm14, vm9  }
0xbc: {  	vm11 =	veq.s32 v26, $0x1;
	v18 =	vadd.f32 v13, v1;
	v12 =	vsel vm8, v15, v12  }
0xbd: {  	v13 =	vadd.f32 v11, v1;
	vm12 =	vne.s32 v26, $0x5;
	vm13 =	vgt.f32 v30, v12  }
0xbe: {  	v53 =	vsel vm11, $0x3F800000, v1;
	v54 =	vsel vm10, $0x3F800000, v1;
	vm12 =	vmand vm12, vm13  }
0xbf: {  	v17 =	vadd.f32 v47, v1;
	v16 =	vadd.f32 v14, v1;
	v11 =	vsel vm12, v30, v12  }
0xc0: {  	v14 =	vadd.f32 v25, v1;
	vm9 =	veq.s32 v26, $0x2;
	vm13 =	vgt.f32 v20, v11  }
0xc1: {  	v12 =	vadd.f32 v24, v1;
	v24 =	vsel vm4, $0x2, v50;
	vm15 =	vmneg vm13  }
0xc2: {  	v15 =	vadd.f32 v22, v1;
	v24 =	vsel vm7, $0x3, v24;
	vm3 =	vmor vm6, vm15  }
0xc3: {  	v22 =	vadd.f32 v23, v1;
	v11 =	vsel vm3, v11, v20;
	v20 =	vsel vm8, $0x4, v24  }
0xc4: {  	v23 =	vsel vm6, $0x3F800000, v1;
	vm8 =	vgt.f32 v21, v11;
	v20 =	vsel vm12, $0x5, v20  }
0xc5: {  	v52 =	vsel vm9, $0x3F800000, v1;
	vm0 =	vmand vm0, vm8;
	v56 =	vnsel vm3, $0x6, v20  }
0xc6: {  	v20 =	vsel vm0, v21, v11;
	v11 =	vsel vm2, $0x3F800000, v1;
	v21 =	vsel vm0, $0x7, v56  }
0xc7: {  	vm9 =	vmor vm0, vm3;
	v63 =	vsel vm0, $0x3F800000, v1;
	v57 =	vadd.f32 v20, v19  }
0xc8: {  	vm10 =	veq.s32 v21, $0x3;
	vm11 =	veq.s32 v21, $0x4;
	vm12 =	veq.s32 v21, $0x5  }
0xc9: {  	vm13 =	veq.s32 v21, $0x0;
	vm14 =	veq.s32 v21, $0x1;
	(erf) = vrcp.f32 v57  }
0xca: {  	v59 =	vsel vm10, $0x3F800000, v1;
	v60 =	vsel vm11, $0x3F800000, v1;
	v61 =	vsel vm14, $0x3F800000, v1  }
0xcb: {  	v30 =	vadd.f32 v59, v58;
	v31 =	vadd.f32 v60, v11;
	v11 =	vsel vm12, $0x3F800000, v1  }
0xcc: {  	v28 =	vadd.f32 v61, v53;
	v29 =	vadd.f32 v11, v55;
	v11 =	vsel vm13, $0x3F800000, v1  }
0xcd: {  	vm15 =	veq.s32 v21, $0x2;
	v24 =	vadd.f32 v11, v54;
	v11 =	vadd.f32 v30, v12  }
0xce: {  	v12 =	vadd.f32 v31, v22;
	v22 =	vsel vm9, $0x0, v2;
	v15 =	vadd.f32 v28, v15  }
0xcf: {  	v62 =	vsel vm15, $0x3F800000, v1;
	v22 =	vadd.f32 v22, v23;
	v23 =	vadd.f32 v63, v51  }
0xd0: {  	s20 =	sor.u32 s14, s15;
	v14 =	vadd.f32 v24, v14;
	v24 =	vadd.f32 v62, v52  }
0xd1: {  	[tilespmem:s20+$0x2800] =	vst v26;
	v13 =	vadd.f32 v29, v13;
	v17 =	vadd.f32 v22, v17  }
0xd2: {  	s14 =	simm.s32 $0x0;
	s15 =	simm.s32 $0x0;
	[tilespmem:s20+$0x2880] =	vst v21;
	v18 =	vadd.f32 v23, v18;
	v16 =	vadd.f32 v24, v16;
	v21 =	vpop (erf)  }
.LBB2_2:
0xd3: {  	s14 =	sadd.s32 $0x2, s14;
	v19 =	vmul.f32 v21, v19;
	v20 =	vmul.f32 v21, v20;
	s15 =	sadd.s32 $0x20, s15  }
0xd4: {  	s16 =	sshll.u32 s14, $0x7;
	s17 =	sshll.u32 s14, $0x5;
	p0 =	slt.u32 s14, $0x3E  }
0xd5: {  	s19 =	sand.u32 $0x60, s15;
	s18 =	sand.u32 $0x3FFFFC00, s16;
	s16 =	sand.u32 $0xFFFFFF00, s17;
	[tilespmem:s20+$0x2000] =	vst v19  }
0xd6: {  	s17 =	sor.u32 $0x10, s19;
	s21 =	sor.u32 s19, s18;
	[tilespmem:s20+$0x2080] =	vst v20  }
0xd7: {  	v19 =	vld [tilespmem:s21+$0x0]  }
0xd8: {  	v20 =	vld [tilespmem:s21+$0x80]  }
0xd9: {  	v21 =	vld [tilespmem:s21+$0x100]  }
0xda: {  	v22 =	vld [tilespmem:s21+$0x180]  }
0xdb: {  	v23 =	vld [tilespmem:s21+$0x200]  }
0xdc: {  	v24 =	vld [tilespmem:s21+$0x280]  }
0xdd: {  	v25 =	vld [tilespmem:s21+$0x300];
	v26 =	vmax.f32 v19, v20  }
0xde: {  	v27 =	vld [tilespmem:s21+$0x380];
	v26 =	vmax.f32 v26, v21  }
0xdf: {  	v26 =	vmax.f32 v26, v22  }
0xe0: {  	v26 =	vmax.f32 v26, v23  }
0xe1: {  	v26 =	vmax.f32 v26, v24  }
0xe2: {  	v26 =	vmax.f32 v26, v25  }
0xe3: {  	v26 =	vmax.f32 v26, v27  }
0xe4: {  	v19 =	vsub.f32 v19, v26;
	v20 =	vsub.f32 v20, v26  }
0xe5: {  	v21 =	vsub.f32 v21, v26;
	v22 =	vsub.f32 v22, v26  }
0xe6: {  	v23 =	vsub.f32 v23, v26;
	v19 =	vmul.f32 $1.442695020e+00, v19;
	v20 =	vmul.f32 $1.442695020e+00, v20  }
0xe7: {  	v24 =	vsub.f32 v24, v26;
	v21 =	vmul.f32 $1.442695020e+00, v21;
	v22 =	vmul.f32 $1.442695020e+00, v22  }
0xe8: {  	v25 =	vsub.f32 v25, v26;
	v23 =	vmul.f32 $1.442695020e+00, v23;
	(erf) = vpow2.f32 v19  }
0xe9: {  	v19 =	vmul.f32 $1.442695020e+00, v24;
	v24 =	vsub.f32 v27, v26;
	(erf) = vpow2.f32 v20  }
0xea: {  	v20 =	vmul.f32 $1.442695020e+00, v25  }
0xeb: {  	v24 =	vmul.f32 $1.442695020e+00, v24;
	(erf) = vpow2.f32 v21;
	_ =	sdelay $0x1  }
0xec: {  	(erf) = vpow2.f32 v22;
	_ =	sdelay $0x1  }
0xed: {  	(erf) = vpow2.f32 v23;
	_ =	sdelay $0x1  }
0xee: {  	v21 =	vpop (erf);
	(erf) = vpow2.f32 v19  }
0xef: {  	v19 =	vpop (erf)  }
0xf0: {  	v22 =	vadd.f32 v19, v21;
	(erf) = vpow2.f32 v20  }
0xf1: {  	v20 =	vpop (erf)  }
0xf2: {  	v22 =	vadd.f32 v22, v20;
	(erf) = vpow2.f32 v24  }
0xf3: {  	v24 =	vpop (erf)  }
0xf4: {  	v22 =	vadd.f32 v22, v24  }
0xf5: {  	v25 =	vpop (erf)  }
0xf6: {  	v22 =	vadd.f32 v22, v25  }
0xf7: {  	v26 =	vpop (erf)  }
0xf8: {  	v22 =	vadd.f32 v22, v26  }
0xf9: {  	v28 =	vpop (erf)  }
0xfa: {  	v22 =	vadd.f32 v22, v28  }
0xfb: {  	v29 =	vpop (erf)  }
0xfc: {  	v22 =	vadd.f32 v22, v29;
	_ =	sdelay $0x1  }
0xfd: {  	(erf) = vrcp.f32 v22;
	_ =	sdelay $0x8  }
0xfe: {  	v30 =	vpop (erf)  }
0xff: {  	v22 =	vmul.f32 v30, v21;
	v21 =	vmul.f32 v30, v19;
	_ =	sdelay $0x1  }
0x100: {  	v23 =	vmul.f32 v30, v20;
	vm0 =	vgt.f32 v21, v22  }
0x101: {  	v19 =	vsel vm0, v21, v22  }
0x102: {  	v24 =	vmul.f32 v30, v24;
	vm1 =	vgt.f32 v23, v19  }
0x103: {  	v19 =	vsel vm1, v23, v19  }
0x104: {  	v27 =	vmul.f32 v30, v25;
	vm2 =	vgt.f32 v24, v19  }
0x105: {  	v20 =	vsel vm2, v24, v19  }
0x106: {  	v19 =	vmul.f32 v30, v26;
	vm3 =	vgt.f32 v27, v20  }
0x107: {  	v25 =	vsel vm3, v27, v20  }
0x108: {  	v26 =	vsel vm0, $0x1, v0;
	v20 =	vmul.f32 v30, v28;
	vm0 =	vgt.f32 v19, v25  }
0x109: {  	v26 =	vsel vm1, $0x2, v26;
	v28 =	vsel vm0, v19, v25  }
0x10a: {  	v26 =	vsel vm2, $0x3, v26;
	v25 =	vmul.f32 v30, v29;
	vm1 =	vgt.f32 v20, v28  }
0x10b: {  	v26 =	vsel vm3, $0x4, v26;
	v28 =	vsel vm1, v20, v28  }
0x10c: {  	v26 =	vsel vm0, $0x5, v26;
	vm0 =	vgt.f32 v25, v28  }
0x10d: {  	v26 =	vsel vm1, $0x6, v26;
	vm2 =	vmneg vm0  }
0x10e: {  	v35 =	vsel vm2, v28, v25;
	v36 =	vnsel vm2, $0x7, v26;
	vm0 =	vmand vm1, vm2  }
0x10f: {  	vm1 =	vgt.f32 v22, $-1.000000000e+00;
	vm4 =	vne.s32 v36, $0x0;
	vm3 =	veq.s32 v36, $0x4  }
0x110: {  	vm5 =	veq.s32 v36, $0x1;
	vm1 =	vmand vm1, vm4;
	vm4 =	veq.s32 v36, $0x5  }
0x111: {  	v26 =	vnsel vm1, $0xBF800000, v22;
	vm1 =	veq.s32 v36, $0x2  }
0x112: {  	vm7 =	vne.s32 v36, $0x1;
	vm6 =	vgt.f32 v21, v26  }
0x113: {  	vm6 =	vmand vm7, vm6  }
0x114: {  	v26 =	vsel vm6, v21, v26  }
0x115: {  	vm8 =	vne.s32 v36, $0x2;
	vm7 =	vgt.f32 v23, v26  }
0x116: {  	vm7 =	vmand vm8, vm7  }
0x117: {  	v26 =	vsel vm7, v23, v26  }
0x118: {  	vm9 =	vne.s32 v36, $0x3;
	vm8 =	vgt.f32 v24, v26  }
0x119: {  	vm8 =	vmand vm9, vm8  }
0x11a: {  	v28 =	vsel vm6, $0x1, v0;
	v26 =	vsel vm8, v24, v26  }
0x11b: {  	v28 =	vsel vm7, $0x2, v28;
	vm7 =	vne.s32 v36, $0x4;
	vm6 =	vgt.f32 v27, v26  }
0x11c: {  	v28 =	vsel vm8, $0x3, v28;
	vm6 =	vmand vm7, vm6  }
0x11d: {  	v26 =	vsel vm6, v27, v26;
	v28 =	vsel vm6, $0x4, v28  }
0x11e: {  	vm7 =	vne.s32 v36, $0x5;
	vm6 =	vgt.f32 v19, v26  }
0x11f: {  	vm6 =	vmand vm7, vm6  }
0x120: {  	v26 =	vsel vm6, v19, v26;
	v28 =	vsel vm6, $0x5, v28  }
0x121: {  	vm6 =	vgt.f32 v20, v26  }
0x122: {  	vm6 =	vmneg vm6  }
0x123: {  	v33 =	vsel vm2, $0x0, v2;
	vm6 =	vmor vm0, vm6  }
0x124: {  	v31 =	vsel vm5, $0x3F800000, v1;
	vm7 =	veq.s32 v36, $0x0;
	v26 =	vsel vm6, v26, v20  }
0x125: {  	v29 =	vsel vm4, $0x3F800000, v1;
	vm8 =	veq.s32 v36, $0x3;
	vm5 =	vgt.f32 v25, v26  }
0x126: {  	v30 =	vsel vm3, $0x3F800000, v1;
	v28 =	vnsel vm6, $0x6, v28;
	vm2 =	vmand vm2, vm5  }
0x127: {  	v37 =	vsel vm2, v25, v26;
	v38 =	vsel vm2, $0x7, v28;
	v26 =	vsel vm8, $0x3F800000, v1  }
0x128: {  	v28 =	vadd.f32 v37, v35;
	vm3 =	veq.s32 v38, $0x3;
	vm4 =	veq.s32 v38, $0x4  }
0x129: {  	v32 =	vsel vm3, $0x3F800000, v1;
	v34 =	vsel vm4, $0x3F800000, v1;
	vm3 =	veq.s32 v38, $0x5  }
0x12a: {  	v26 =	vadd.f32 v32, v26;
	v32 =	vsel vm3, $0x3F800000, v1;
	(erf) = vrcp.f32 v28  }
0x12b: {  	vm3 =	veq.s32 v38, $0x0;
	v28 =	vadd.f32 v34, v30;
	v29 =	vadd.f32 v32, v29  }
0x12c: {  	v30 =	vsel vm7, $0x3F800000, v1;
	v32 =	vsel vm3, $0x3F800000, v1;
	vm3 =	veq.s32 v38, $0x1  }
0x12d: {  	v30 =	vadd.f32 v32, v30;
	v32 =	vsel vm3, $0x3F800000, v1;
	vm3 =	veq.s32 v38, $0x2  }
0x12e: {  	v31 =	vadd.f32 v32, v31;
	v32 =	vsel vm1, $0x3F800000, v1;
	v34 =	vsel vm3, $0x3F800000, v1  }
0x12f: {  	vm1 =	vmor vm2, vm6;
	v32 =	vadd.f32 v34, v32;
	v34 =	vsel vm2, $0x3F800000, v1  }
0x130: {  	v39 =	vsel vm0, $0x3F800000, v1;
	v40 =	vsel vm1, $0x0, v2;
	v34 =	vadd.f32 v34, v33  }
0x131: {  	v33 =	vadd.f32 v40, v39;
	_ =	sdelay $0x1  }
0x132: {  	s19 =	sor.u32 s19, s16;
	v39 =	vpop (erf)  }
0x133: {  	v35 =	vmul.f32 v39, v35;
	v37 =	vmul.f32 v39, v37;
	[tilespmem:s19+$0x2800] =	vst v36  }
0x134: {  	[tilespmem:s19+$0x2880] =	vst v38  }
0x135: {  	[tilespmem:s19+$0x2000] =	vst v35  }
0x136: {  	s18 =	sor.u32 s17, s18;
	[tilespmem:s19+$0x2080] =	vst v37  }
0x137: {  	v35 =	vld [tilespmem:s18+$0x0]  }
0x138: {  	v36 =	vld [tilespmem:s18+$0x80]  }
0x139: {  	v37 =	vld [tilespmem:s18+$0x100]  }
0x13a: {  	v38 =	vld [tilespmem:s18+$0x180]  }
0x13b: {  	v39 =	vld [tilespmem:s18+$0x200]  }
0x13c: {  	v40 =	vld [tilespmem:s18+$0x280]  }
0x13d: {  	v41 =	vld [tilespmem:s18+$0x300];
	v42 =	vmax.f32 v35, v36  }
0x13e: {  	v43 =	vld [tilespmem:s18+$0x380];
	v42 =	vmax.f32 v42, v37  }
0x13f: {  	v42 =	vmax.f32 v42, v38  }
0x140: {  	v42 =	vmax.f32 v42, v39  }
0x141: {  	v42 =	vmax.f32 v42, v40  }
0x142: {  	v42 =	vmax.f32 v42, v41  }
0x143: {  	v42 =	vmax.f32 v42, v43  }
0x144: {  	v35 =	vsub.f32 v35, v42;
	v36 =	vsub.f32 v36, v42  }
0x145: {  	v37 =	vsub.f32 v37, v42;
	v38 =	vsub.f32 v38, v42  }
0x146: {  	v39 =	vsub.f32 v39, v42;
	v35 =	vmul.f32 $1.442695020e+00, v35;
	v36 =	vmul.f32 $1.442695020e+00, v36  }
0x147: {  	v40 =	vsub.f32 v40, v42;
	v37 =	vmul.f32 $1.442695020e+00, v37;
	v38 =	vmul.f32 $1.442695020e+00, v38  }
0x148: {  	v41 =	vsub.f32 v41, v42;
	v39 =	vmul.f32 $1.442695020e+00, v39;
	(erf) = vpow2.f32 v35  }
0x149: {  	v35 =	vmul.f32 $1.442695020e+00, v40;
	v40 =	vsub.f32 v43, v42;
	(erf) = vpow2.f32 v36  }
0x14a: {  	v36 =	vmul.f32 $1.442695020e+00, v41;
	(erf) = vpow2.f32 v38  }
0x14b: {  	v38 =	vmul.f32 $1.442695020e+00, v40;
	(erf) = vpow2.f32 v37;
	_ =	sdelay $0x1  }
0x14c: {  	(erf) = vpow2.f32 v39;
	_ =	sdelay $0x1  }
0x14d: {  	(erf) = vpow2.f32 v35;
	_ =	sdelay $0x1  }
0x14e: {  	v35 =	vpop (erf);
	(erf) = vpow2.f32 v36  }
0x14f: {  	v36 =	vpop (erf)  }
0x150: {  	v37 =	vadd.f32 v36, v35;
	v39 =	vpop (erf);
	(erf) = vpow2.f32 v38  }
0x151: {  	v38 =	vpop (erf)  }
0x152: {  	v37 =	vadd.f32 v37, v38  }
0x153: {  	v40 =	vpop (erf)  }
0x154: {  	v37 =	vadd.f32 v37, v39  }
0x155: {  	v41 =	vpop (erf)  }
0x156: {  	v37 =	vadd.f32 v37, v40  }
0x157: {  	v42 =	vpop (erf)  }
0x158: {  	v37 =	vadd.f32 v37, v41  }
0x159: {  	v43 =	vpop (erf)  }
0x15a: {  	v37 =	vadd.f32 v37, v42;
	_ =	sdelay $0x1  }
0x15b: {  	v37 =	vadd.f32 v37, v43;
	_ =	sdelay $0x1  }
0x15c: {  	(erf) = vrcp.f32 v37;
	_ =	sdelay $0x8  }
0x15d: {  	v4 =	vadd.f32 v22, v4;
	v9 =	vadd.f32 v27, v9;
	v22 =	vpop (erf)  }
0x15e: {  	v5 =	vadd.f32 v23, v5;
	v23 =	vmul.f32 v22, v35;
	v27 =	vmul.f32 v22, v36  }
0x15f: {  	v3 =	vadd.f32 v21, v3;
	v7 =	vadd.f32 v24, v7  }
0x160: {  	v21 =	vmul.f32 v22, v38;
	v24 =	vmul.f32 v22, v39;
	vm0 =	vgt.f32 v27, v23  }
0x161: {  	v4 =	vadd.f32 v23, v4;
	v3 =	vadd.f32 v27, v3;
	v35 =	vsel vm0, v27, v23  }
0x162: {  	v36 =	vmul.f32 v22, v40;
	v5 =	vadd.f32 v21, v5;
	vm1 =	vgt.f32 v21, v35  }
0x163: {  	v10 =	vadd.f32 v25, v10;
	v7 =	vadd.f32 v24, v7;
	v25 =	vsel vm1, v21, v35  }
0x164: {  	v9 =	vadd.f32 v36, v9;
	v35 =	vmul.f32 v22, v41;
	vm2 =	vgt.f32 v24, v25  }
0x165: {  	v6 =	vadd.f32 v19, v6;
	v8 =	vadd.f32 v20, v8;
	v19 =	vsel vm2, v24, v25  }
0x166: {  	v20 =	vmul.f32 v22, v42;
	v25 =	vsel vm0, $0x1, v0;
	vm0 =	vgt.f32 v36, v19  }
0x167: {  	v6 =	vadd.f32 v35, v6;
	v25 =	vsel vm1, $0x2, v25;
	v19 =	vsel vm0, v36, v19  }
0x168: {  	v22 =	vmul.f32 v22, v43;
	v25 =	vsel vm2, $0x3, v25;
	vm1 =	vgt.f32 v35, v19  }
0x169: {  	v8 =	vadd.f32 v20, v8;
	v25 =	vsel vm0, $0x4, v25;
	v19 =	vsel vm1, v35, v19  }
0x16a: {  	v10 =	vadd.f32 v22, v10;
	v25 =	vsel vm1, $0x5, v25;
	vm1 =	vgt.f32 v20, v19  }
0x16b: {  	v19 =	vsel vm1, v20, v19;
	v25 =	vsel vm1, $0x6, v25  }
0x16c: {  	vm0 =	vgt.f32 v22, v19  }
0x16d: {  	vm4 =	vgt.f32 v23, $-1.000000000e+00;
	vm0 =	vmneg vm0  }
0x16e: {  	s20 =	sor.u32 s16, s17;
	v19 =	vsel vm0, v19, v22;
	v25 =	vnsel vm0, $0x7, v25;
	vm3 =	vmand vm1, vm0  }
0x16f: {  	vm5 =	vne.s32 v25, $0x0;
	[tilespmem:s20+$0x2800] =	vst v25;
	vm1 =	veq.s32 v25, $0x3;
	vm2 =	veq.s32 v25, $0x4  }
0x170: {  	vm8 =	vne.s32 v25, $0x1;
	vm5 =	vmand vm4, vm5;
	vm4 =	veq.s32 v25, $0x5  }
0x171: {  	vm6 =	veq.s32 v25, $0x1;
	v23 =	vnsel vm5, $0xBF800000, v23;
	vm5 =	veq.s32 v25, $0x0  }
0x172: {  	vm7 =	veq.s32 v25, $0x2;
	vm9 =	vgt.f32 v27, v23  }
0x173: {  	vm8 =	vmand vm8, vm9;
	vm9 =	vne.s32 v25, $0x2  }
0x174: {  	v23 =	vsel vm8, v27, v23  }
0x175: {  	vm10 =	vgt.f32 v21, v23  }
0x176: {  	vm9 =	vmand vm9, vm10;
	vm10 =	vne.s32 v25, $0x3  }
0x177: {  	v21 =	vsel vm9, v21, v23  }
0x178: {  	vm11 =	vgt.f32 v24, v21  }
0x179: {  	vm10 =	vmand vm10, vm11;
	vm11 =	vne.s32 v25, $0x4  }
0x17a: {  	v21 =	vsel vm10, v24, v21  }
0x17b: {  	v18 =	vadd.f32 v34, v18;
	vm12 =	vgt.f32 v36, v21  }
0x17c: {  	v17 =	vadd.f32 v33, v17;
	vm11 =	vmand vm11, vm12;
	vm12 =	vne.s32 v25, $0x5  }
0x17d: {  	v15 =	vadd.f32 v31, v15;
	v16 =	vadd.f32 v32, v16;
	v21 =	vsel vm11, v36, v21  }
0x17e: {  	v13 =	vadd.f32 v29, v13;
	v14 =	vadd.f32 v30, v14;
	vm13 =	vgt.f32 v35, v21  }
0x17f: {  	v11 =	vadd.f32 v26, v11;
	v12 =	vadd.f32 v28, v12;
	vm12 =	vmand vm12, vm13  }
0x180: {  	v23 =	vsel vm3, $0x3F800000, v1;
	v24 =	vsel vm0, $0x0, v2;
	v21 =	vsel vm12, v35, v21  }
0x181: {  	v26 =	vsel vm7, $0x3F800000, v1;
	v25 =	vsel vm8, $0x1, v0;
	vm8 =	vgt.f32 v20, v21  }
0x182: {  	v27 =	vsel vm6, $0x3F800000, v1;
	v25 =	vsel vm9, $0x2, v25;
	vm7 =	vmneg vm8  }
0x183: {  	v28 =	vsel vm5, $0x3F800000, v1;
	v25 =	vsel vm10, $0x3, v25;
	vm3 =	vmor vm3, vm7  }
0x184: {  	v25 =	vsel vm11, $0x4, v25;
	v20 =	vsel vm3, v21, v20;
	v21 =	vsel vm4, $0x3F800000, v1  }
0x185: {  	v29 =	vsel vm2, $0x3F800000, v1;
	v25 =	vsel vm12, $0x5, v25;
	vm4 =	vgt.f32 v22, v20  }
0x186: {  	v30 =	vsel vm1, $0x3F800000, v1;
	v25 =	vnsel vm3, $0x6, v25;
	vm0 =	vmand vm0, vm4  }
0x187: {  	v20 =	vsel vm0, v22, v20;
	v22 =	vsel vm0, $0x7, v25;
	vm1 =	vmor vm0, vm3  }
0x188: {  	v25 =	vadd.f32 v20, v19;
	[tilespmem:s20+$0x2880] =	vst v22;
	vm2 =	veq.s32 v22, $0x0;
	vm3 =	veq.s32 v22, $0x1  }
0x189: {  	vm4 =	veq.s32 v22, $0x2;
	vm5 =	veq.s32 v22, $0x3;
	vm6 =	veq.s32 v22, $0x4  }
0x18a: {  	v31 =	vsel vm5, $0x3F800000, v1;
	vm5 =	veq.s32 v22, $0x5;
	(erf) = vrcp.f32 v25  }
0x18b: {  	v22 =	vadd.f32 v31, v30;
	v25 =	vsel vm6, $0x3F800000, v1;
	v30 =	vsel vm5, $0x3F800000, v1  }
0x18c: {  	v31 =	vsel vm2, $0x3F800000, v1;
	v25 =	vadd.f32 v25, v29;
	v21 =	vadd.f32 v30, v21  }
0x18d: {  	v28 =	vadd.f32 v31, v28;
	v29 =	vsel vm3, $0x3F800000, v1;
	v11 =	vadd.f32 v22, v11  }
0x18e: {  	v12 =	vadd.f32 v25, v12;
	v13 =	vadd.f32 v21, v13;
	v21 =	vsel vm1, $0x0, v2  }
.Ltmp0:
0x18f: {  	v22 =	vadd.f32 v29, v27;
	v14 =	vadd.f32 v28, v14;
	v25 =	vsel vm4, $0x3F800000, v1;
	(pc) =	sbr.rel @p0 .LBB2_2-.Ltmp0, $4  }
0x190: {  	v25 =	vadd.f32 v25, v26;
	v26 =	vadd.f32 v21, v23;
	v23 =	vsel vm0, $0x3F800000, v1  }
0x191: {  	v15 =	vadd.f32 v22, v15;
	v22 =	vadd.f32 v23, v24  }
0x192: {  	v16 =	vadd.f32 v25, v16;
	v17 =	vadd.f32 v26, v17  }
0x193: {  	v18 =	vadd.f32 v22, v18;
	v21 =	vpop (erf)  }
0x194: {  	v19 =	vmul.f32 v21, v19  }
0x195: {  	v20 =	vmul.f32 v21, v20  }
0x196: {  	[tilespmem:s20+$0x2000] =	vst v19  }
0x197: {  	[tilespmem:s20+$0x2080] =	vst v20  }
0x198: {  	[tilespmem:$0x3000] =	vst v4  }
0x199: {  	[tilespmem:$0x3080] =	vst v3  }
0x19a: {  	[tilespmem:$0x3100] =	vst v5  }
0x19b: {  	[tilespmem:$0x3180] =	vst v7  }
0x19c: {  	[tilespmem:$0x3200] =	vst v9  }
0x19d: {  	[tilespmem:$0x3280] =	vst v6  }
0x19e: {  	[tilespmem:$0x3300] =	vst v8  }
0x19f: {  	[tilespmem:$0x3380] =	vst v10  }
0x1a0: {  	[tilespmem:$0x3400] =	vst v14  }
0x1a1: {  	[tilespmem:$0x3480] =	vst v15  }
0x1a2: {  	[tilespmem:$0x3500] =	vst v16  }
0x1a3: {  	[tilespmem:$0x3580] =	vst v11  }
0x1a4: {  	[tilespmem:$0x3600] =	vst v12  }
0x1a5: {  	[tilespmem:$0x3680] =	vst v13  }
0x1a6: {  	[tilespmem:$0x3700] =	vst v17  }
0x1a7: {  	[tilespmem:$0x3780] =	vst v18  }
0x1a8: {  	[hbm4b:s4+s2] =	stream.linear.scatter [tilespmem:s9], [sflag:$0x2], $0x800, $0x38;
	[tilespmem:$0x3800] =	vst v63  }
0x1a9: {  	_ =	swait.ge [sflag:s10], $0x800  }
0x1aa: {  	[sflag:s10] =	ssyncset.done $0x0  }
0x1ab: {  	[sflag:s10] =	ssyncadd.s32 $0xFFFFF800  }
0x1ac: {  	[hbm4b:s5+s2] =	stream.linear.scatter [tilespmem:s11], [sflag:$0x2], $0x800, $0x38;
	[tilespmem:$0x3800] =	vst v63  }
0x1ad: {  	s13 =	sadd.s32 $0x1, s13;
	_ =	swait.ge [sflag:s10], $0x800  }
0x1ae: {  	p0 =	sne.s32 s13, s7;
	[sflag:s10] =	ssyncset.done $0x0  }
.Ltmp1:
0x1af: {  	[sflag:s10] =	ssyncadd.s32 $0xFFFFF800;
	(pc) =	sbr.rel @p0 .LBB2_1-.Ltmp1, $4  }
0x1b0: {  	[hbm4b:s6+s2] =	stream.linear.scatter [tilespmem:s12], [sflag:$0x2], $0x800, $0x38;
	[tilespmem:$0x3800] =	vst v63  }
0x1b1: {  	_ =	swait.ge [sflag:s10], $0x800  }
0x1b2: {  	[sflag:s10] =	ssyncset.done $0x0  }
0x1b3: {  	[sflag:s10] =	ssyncadd.s32 $0xFFFFF800  }
0x1b4: {  	_ =	sfence.sel $0x180000  }
0x1b5: {  	[bflag:$0x0] =	sbarrier.arrive $0xFFFF  }
0x1b6: {  	p0 =	sne.s32 s1, $0x0;
	_ =	strace $0x90000047  }
0x1b7: {  	s0 =	sadd.s32 @!p0 $0x100000, s0;
	[bflag:$0x2] =	sbarrier.arrive $0xFFFF  }
0x1b8: {  	[sflag:s0] =	ssyncadd.tile.s32 @!p0 $0x1;
	_ =	shalt  }
.Lfunc_end2:
_tile_overlayer_lowered:
.L_overlay_start_2:
0x1b9: {  	(tag) =	ssettag $0x2  }
0x1ba: {  	s0 =	rddreg [dreg:$0x0];
	s2 =	stileid.u32  }
0x1bb: {  	s1 =	rddreg [dreg:$0x1];
	p0 =	sne.s32 s2, $0x0  }
0x1bc: {  	s3 =	rddreg [dreg:$0x2];
	[bflag:$0x3] =	sbarrier.arrive $0xFFFF;
	s2 =	simm.s32 @!p0 $0x1C02  }
0x1bd: {  	[timem:s3], [sflag:s2] =	dma.local @!p0 [hbm:s0], s1  }
0x1be: {  	s0 =	simm.s32 @!p0 $0x2  }
0x1bf: {  	_ =	swait.ge @!p0 [sflag:s0], s1  }
0x1c0: {  	s1 =	ssub.s32 @!p0 $0x0, s1;
	[sflag:s0] =	ssyncset.done @!p0 $0x0  }
0x1c1: {  	[sflag:s0] =	ssyncadd.s32 @!p0 s1  }
0x1c2: {  	[bflag:$0x3] =	sbarrier.arrive $0xFFFF  }
0x1c3: {  	_ =	shalt  }

</sc_bundles>
